<compile_context>
chip_gen: v7x
topology: tpu7x:2x2x1
jax: 0.10.2.dev20260603
libtpu: 0.0.44.dev20260713+nightly
codegen_flags: <defaults>
</compile_context>

<pallas_src>
import functools

import jax
import jax.numpy as jnp
from jax import lax
from jax.experimental import pallas as pl
from jax.experimental.pallas import tpu as pltpu
from jax.experimental.pallas import tpu_sc as plsc

N = 10000
E = 160000
D = 256
NP = 10240
NPF = NP * 4
NR = NP // 32
NTILES = 16
NCORES = 2
CS = 20480
CH = 1
EPF = NCORES * NTILES * CH * CS


def _tc1_body(x_ref, wr_ref, wo_ref, p_ref, q_ref):
    xb = x_ref[...]
    p_ref[...] = jnp.dot(xb, wr_ref[...], preferred_element_type=jnp.float32)
    q_ref[...] = jnp.dot(xb, wo_ref[...], preferred_element_type=jnp.float32)


def _tc1(x_r, wr_blk, wo_blk):
    return pl.pallas_call(
        _tc1_body,
        out_shape=(
            jax.ShapeDtypeStruct((NR, 128), jnp.float32),
            jax.ShapeDtypeStruct((NR, 128), jnp.float32),
        ),
    )(x_r, wr_blk, wo_blk)


def _tcmid_body(parts_ref, q_ref, b_ref, wr_ref, wo_ref, pn_ref, qn_ref):
    h = jnp.tanh(parts_ref[0] + parts_ref[1] + q_ref[...] + b_ref[...])
    pn_ref[...] = jnp.dot(h, wr_ref[...], preferred_element_type=jnp.float32)
    qn_ref[...] = jnp.dot(h, wo_ref[...], preferred_element_type=jnp.float32)


def _tcmid(parts, q, b_row, wr_blk, wo_blk):
    return pl.pallas_call(
        _tcmid_body,
        out_shape=(
            jax.ShapeDtypeStruct((NR, 128), jnp.float32),
            jax.ShapeDtypeStruct((NR, 128), jnp.float32),
        ),
    )(parts, q, b_row, wr_blk, wo_blk)


def _tcfin_body(parts_ref, q_ref, b_ref, o_ref):
    o_ref[...] = jnp.tanh(parts_ref[0] + parts_ref[1] + q_ref[...] + b_ref[...])


def _tcfin(parts, q, b_row):
    return pl.pallas_call(
        _tcfin_body,
        out_shape=jax.ShapeDtypeStruct((NR, 128), jnp.float32),
    )(parts, q, b_row)


@functools.partial(
    pl.kernel,
    out_type=jax.ShapeDtypeStruct((NCORES, NPF), jnp.float32),
    mesh=plsc.VectorSubcoreMesh(core_axis_name="c", subcore_axis_name="s"),
    scratch_types=[
        pltpu.VMEM_SHARED((NPF,), jnp.float32),
        pltpu.VMEM_SHARED((NPF,), jnp.float32),
        pltpu.VMEM((CS,), jnp.int32),
        pltpu.VMEM((CS,), jnp.int32),
        pltpu.VMEM((CS,), jnp.float32),
        pltpu.SemaphoreType.DMA,
    ],
)
def _sc_edge_agg(p_hbm, idx_hbm, z_hbm, out_hbm,
                 p_sp, agg_sp, sidx, didx, rows, sem):
    c = lax.axis_index("c")
    s = lax.axis_index("s")
    rp = NPF // NTILES
    sl = pl.ds(s * rp, rp)
    pltpu.sync_copy(p_hbm.at[sl], p_sp.at[sl])
    pltpu.sync_copy(z_hbm.at[sl], agg_sp.at[sl])
    pltpu.sync_copy(idx_hbm.at[c, s, 0, 0], sidx)
    pltpu.sync_copy(idx_hbm.at[c, s, 1, 0], didx)
    plsc.subcore_barrier()

    pltpu.async_copy(p_sp.at[sidx], rows, sem).wait()
    pltpu.sync_copy(rows, agg_sp.at[didx], add=True)

    plsc.subcore_barrier()
    pltpu.sync_copy(agg_sp.at[sl], out_hbm.at[c].at[sl])


def _expand(idx):
    e4 = (idx[:, None] * 4 + jnp.arange(4, dtype=jnp.int32)).reshape(-1)
    npad = EPF - 4 * E
    pad = (4 * N + (jnp.arange(npad, dtype=jnp.int32) % (NPF - 4 * N)))
    return jnp.concatenate([e4, pad]).reshape(NCORES, NTILES, CH, CS)


def _blk(w):
    wp = jnp.pad(w, ((0, 4 - w.shape[0]), (0, 4 - w.shape[1])))
    return jnp.kron(jnp.eye(32, dtype=jnp.float32), wp)


def kernel(edge_index, x, W1_rel, b1_rel, W1_root,
           W2_rel, b2_rel, W2_root, W3_rel, b3_rel, W3_root):
    idx4 = jnp.stack([_expand(edge_index[0]), _expand(edge_index[1])], axis=2)
    x_r = jnp.pad(x, ((0, NP - N), (0, 0))).reshape(NR, 32 * D)
    zeros = jnp.zeros((NPF,), jnp.float32)

    w1r_blk = jnp.kron(jnp.eye(32, dtype=jnp.float32), W1_rel)
    w1o_blk = jnp.kron(jnp.eye(32, dtype=jnp.float32), W1_root)
    p1, q1 = _tc1(x_r, w1r_blk, w1o_blk)
    parts1 = _sc_edge_agg(p1.reshape(NPF), idx4, zeros)

    b1t = jnp.tile(b1_rel, 32).reshape(1, 128)
    p2, q2 = _tcmid(parts1.reshape(NCORES, NR, 128), q1, b1t,
                    _blk(W2_rel), _blk(W2_root))
    parts2 = _sc_edge_agg(p2.reshape(NPF), idx4, zeros)

    b2t = jnp.tile(b2_rel, 32).reshape(1, 128)
    p3, q3 = _tcmid(parts2.reshape(NCORES, NR, 128), q2, b2t,
                    _blk(W3_rel), _blk(W3_root))
    parts3 = _sc_edge_agg(p3.reshape(NPF), idx4, zeros)

    b3t = jnp.tile(jnp.pad(b3_rel, (0, 2)), 32).reshape(1, 128)
    out = _tcfin(parts3.reshape(NCORES, NR, 128), q3, b3t)
    return out.reshape(NP, 4)[:N, :2]

# --- scband reference (transcript-rebuilt; emitter-appended) ---
"""Pipeline reference for scband-feature-extractor-gcn-33371895890711 (READ-ONLY COPY).

The authoritative reference and input builder live on the scoring server;
editing this copy changes nothing except your own understanding.
"""

import jax, jax.numpy as jnp
import numpy as np

N_NODES = 10000
N_EDGES = 160000
D_FEAT = 256


def setup_inputs(seed: int = 0) -> dict:
    key = jax.random.key(seed)
    ks = jax.random.split(key, 12)
    x = jax.random.normal(ks[0], (N_NODES, D_FEAT), dtype=jnp.float32)
    edge_index = jax.random.randint(ks[1], (2, N_EDGES), 0, N_NODES, dtype=jnp.int32)
    # GraphConv layer 1: 256 -> 4 (lin_rel has bias, lin_root has no bias)
    W1_rel = jax.random.normal(ks[2], (D_FEAT, 4), dtype=jnp.float32) * 0.05
    b1_rel = jax.random.normal(ks[3], (4,), dtype=jnp.float32) * 0.05
    W1_root = jax.random.normal(ks[4], (D_FEAT, 4), dtype=jnp.float32) * 0.05
    # GraphConv layer 2: 4 -> 4
    W2_rel = jax.random.normal(ks[5], (4, 4), dtype=jnp.float32) * 0.05
    b2_rel = jax.random.normal(ks[6], (4,), dtype=jnp.float32) * 0.05
    W2_root = jax.random.normal(ks[7], (4, 4), dtype=jnp.float32) * 0.05
    # GraphConv layer 3: 4 -> 2
    W3_rel = jax.random.normal(ks[8], (4, 2), dtype=jnp.float32) * 0.05
    b3_rel = jax.random.normal(ks[9], (2,), dtype=jnp.float32) * 0.05
    W3_root = jax.random.normal(ks[10], (4, 2), dtype=jnp.float32) * 0.05
    return {
        "edge_index": edge_index,
        "x": x,
        "W1_rel": W1_rel, "b1_rel": b1_rel, "W1_root": W1_root,
        "W2_rel": W2_rel, "b2_rel": b2_rel, "W2_root": W2_root,
        "W3_rel": W3_rel, "b3_rel": b3_rel, "W3_root": W3_root,
    }


def _graph_conv(h, src, dst, W_rel, b_rel, W_root):
    # PyG GraphConv (aggr='add'): out_i = lin_rel(sum_{j in N(i)} h_j) + lin_root(h_i)
    msgs = h[src]  # gather source node features over edges
    agg = jax.ops.segment_sum(msgs, dst, num_segments=N_NODES)
    return agg @ W_rel + b_rel + h @ W_root


def reference(edge_index, x, W1_rel, b1_rel, W1_root, W2_rel, b2_rel, W2_root, W3_rel, b3_rel, W3_root):
    src = edge_index[0]
    dst = edge_index[1]
    h = jnp.tanh(_graph_conv(x, src, dst, W1_rel, b1_rel, W1_root))
    h = jnp.tanh(_graph_conv(h, src, dst, W2_rel, b2_rel, W2_root))
    h = jnp.tanh(_graph_conv(h, src, dst, W3_rel, b3_rel, W3_root))
    return h

if __name__ == "__main__":
    import jax
    _d = setup_inputs()
    print(jax.jit(kernel)(*tuple(_d.values())))

</pallas_src>

<mosaic_0001>
#map = affine_map<(d0, d1) -> (0)>
#map1 = affine_map<(d0, d1) -> (0, 0, 0, 0, 0)>
#map2 = affine_map<(d0, d1) -> (0, 0)>
module attributes {stable_mosaic.version = 14 : i64} {
  func.func @_sc_edge_agg(%arg0: i32, %arg1: i32, %arg2: memref<40960xf32, #tpu.memory_space<hbm>>, %arg3: memref<2x16x2x1x20480xi32, #tpu.memory_space<hbm>>, %arg4: memref<40960xf32, #tpu.memory_space<hbm>>, %arg5: memref<2x40960xf32, #tpu.memory_space<hbm>>, %arg6: memref<40960xf32, #tpu.memory_space<vmem_shared>>, %arg7: memref<40960xf32, #tpu.memory_space<vmem_shared>>, %arg8: memref<20480xi32, #tpu.memory_space<vmem>>, %arg9: memref<20480xi32, #tpu.memory_space<vmem>>, %arg10: memref<20480xf32, #tpu.memory_space<vmem>>, %arg11: memref<!tpu.dma_semaphore, #tpu.memory_space<semaphore_mem>>) attributes {dimension_semantics = [#tpu.dimension_semantics<core_parallel>, #tpu.dimension_semantics<subcore_parallel>], iteration_bounds = array<i64: 2, 16>, scalar_prefetch = 0 : i64, scratch_operands = 6 : i64, tpu.core_type = #tpu.core_type<sc_vector_subcore>, window_params = [{transform_indices = #map}, {transform_indices = #map1}, {transform_indices = #map}, {transform_indices = #map2}]} {
    %mul3A = arith.constant 2560 : i32
    %mul3A_0 = arith.muli %arg1, %mul3A : i32
    "tpu.region"() ({
      %run_scoped3A_7 = tpu.sem_alloc : memref<!tpu.dma_semaphore, #tpu.memory_space<semaphore_mem>>
      %dma_start3A_8 = tpu.memref_slice %arg6[%mul3A_0] : memref<40960xf32, #tpu.memory_space<vmem_shared>> -> memref<2560xf32, #tpu.memory_space<vmem_shared>>
      %dma_start3A_9 = tpu.memref_slice %arg2[%mul3A_0] : memref<40960xf32, #tpu.memory_space<hbm>> -> memref<2560xf32, #tpu.memory_space<hbm>>
      tpu.enqueue_dma source(%dma_start3A_9 : memref<2560xf32, #tpu.memory_space<hbm>>) target(%dma_start3A_8 : memref<2560xf32, #tpu.memory_space<vmem_shared>>) target_semaphore(%run_scoped3A_7 : memref<!tpu.dma_semaphore, #tpu.memory_space<semaphore_mem>>)
      %dma_wait3A_10 = tpu.memref_slice %arg6[%mul3A_0] : memref<40960xf32, #tpu.memory_space<vmem_shared>> -> memref<2560xf32, #tpu.memory_space<vmem_shared>>
      %dma_wait3A_11 = tpu.memref_slice %arg2[%mul3A_0] : memref<40960xf32, #tpu.memory_space<hbm>> -> memref<2560xf32, #tpu.memory_space<hbm>>
      tpu.wait_dma2 semaphore(%run_scoped3A_7 : memref<!tpu.dma_semaphore, #tpu.memory_space<semaphore_mem>>) src(%dma_wait3A_11 : memref<2560xf32, #tpu.memory_space<hbm>>) dst(%dma_wait3A_10 : memref<2560xf32, #tpu.memory_space<vmem_shared>>)
      tpu.yield
    }) : () -> ()
    "tpu.region"() ({
      %run_scoped3A_7 = tpu.sem_alloc : memref<!tpu.dma_semaphore, #tpu.memory_space<semaphore_mem>>
      %dma_start3A_8 = tpu.memref_slice %arg7[%mul3A_0] : memref<40960xf32, #tpu.memory_space<vmem_shared>> -> memref<2560xf32, #tpu.memory_space<vmem_shared>>
      %dma_start3A_9 = tpu.memref_slice %arg4[%mul3A_0] : memref<40960xf32, #tpu.memory_space<hbm>> -> memref<2560xf32, #tpu.memory_space<hbm>>
      tpu.enqueue_dma source(%dma_start3A_9 : memref<2560xf32, #tpu.memory_space<hbm>>) target(%dma_start3A_8 : memref<2560xf32, #tpu.memory_space<vmem_shared>>) target_semaphore(%run_scoped3A_7 : memref<!tpu.dma_semaphore, #tpu.memory_space<semaphore_mem>>)
      %dma_wait3A_10 = tpu.memref_slice %arg7[%mul3A_0] : memref<40960xf32, #tpu.memory_space<vmem_shared>> -> memref<2560xf32, #tpu.memory_space<vmem_shared>>
      %dma_wait3A_11 = tpu.memref_slice %arg4[%mul3A_0] : memref<40960xf32, #tpu.memory_space<hbm>> -> memref<2560xf32, #tpu.memory_space<hbm>>
      tpu.wait_dma2 semaphore(%run_scoped3A_7 : memref<!tpu.dma_semaphore, #tpu.memory_space<semaphore_mem>>) src(%dma_wait3A_11 : memref<2560xf32, #tpu.memory_space<hbm>>) dst(%dma_wait3A_10 : memref<2560xf32, #tpu.memory_space<vmem_shared>>)
      tpu.yield
    }) : () -> ()
    %run_scoped3A = arith.constant 0 : i32
    %run_scoped3A_1 = arith.constant 0 : i32
    "tpu.region"() ({
      %run_scoped3A_7 = tpu.sem_alloc : memref<!tpu.dma_semaphore, #tpu.memory_space<semaphore_mem>>
      %dma_start3A_8 = arith.constant 0 : i32
      %dma_start3A_9 = tpu.memref_slice %arg3[%arg0, %arg1, %run_scoped3A, %run_scoped3A_1, %dma_start3A_8] : memref<2x16x2x1x20480xi32, #tpu.memory_space<hbm>> -> memref<1x1x1x1x20480xi32, #tpu.memory_space<hbm>>
      %dma_start3A_10 = tpu.memref_squeeze %dma_start3A_9 : memref<1x1x1x1x20480xi32, #tpu.memory_space<hbm>> -> memref<20480xi32, #tpu.memory_space<hbm>>
      %dma_start3A_11 = arith.constant 0 : i32
      %dma_start3A_12 = tpu.memref_slice %arg3[%arg0, %arg1, %run_scoped3A, %run_scoped3A_1, %dma_start3A_11] : memref<2x16x2x1x20480xi32, #tpu.memory_space<hbm>> -> memref<1x1x1x1x20480xi32, #tpu.memory_space<hbm>>
      %dma_start3A_13 = tpu.memref_squeeze %dma_start3A_12 : memref<1x1x1x1x20480xi32, #tpu.memory_space<hbm>> -> memref<20480xi32, #tpu.memory_space<hbm>>
      tpu.enqueue_dma source(%dma_start3A_13 : memref<20480xi32, #tpu.memory_space<hbm>>) target(%arg8 : memref<20480xi32, #tpu.memory_space<vmem>>) target_semaphore(%run_scoped3A_7 : memref<!tpu.dma_semaphore, #tpu.memory_space<semaphore_mem>>)
      %dma_wait3A_14 = arith.constant 0 : i32
      %dma_wait3A_15 = tpu.memref_slice %arg3[%arg0, %arg1, %run_scoped3A, %run_scoped3A_1, %dma_wait3A_14] : memref<2x16x2x1x20480xi32, #tpu.memory_space<hbm>> -> memref<1x1x1x1x20480xi32, #tpu.memory_space<hbm>>
      %dma_wait3A_16 = tpu.memref_squeeze %dma_wait3A_15 : memref<1x1x1x1x20480xi32, #tpu.memory_space<hbm>> -> memref<20480xi32, #tpu.memory_space<hbm>>
      %dma_wait3A_17 = arith.constant 0 : i32
      %dma_wait3A_18 = tpu.memref_slice %arg3[%arg0, %arg1, %run_scoped3A, %run_scoped3A_1, %dma_wait3A_17] : memref<2x16x2x1x20480xi32, #tpu.memory_space<hbm>> -> memref<1x1x1x1x20480xi32, #tpu.memory_space<hbm>>
      %dma_wait3A_19 = tpu.memref_squeeze %dma_wait3A_18 : memref<1x1x1x1x20480xi32, #tpu.memory_space<hbm>> -> memref<20480xi32, #tpu.memory_space<hbm>>
      tpu.wait_dma2 semaphore(%run_scoped3A_7 : memref<!tpu.dma_semaphore, #tpu.memory_space<semaphore_mem>>) src(%dma_wait3A_19 : memref<20480xi32, #tpu.memory_space<hbm>>) dst(%arg8 : memref<20480xi32, #tpu.memory_space<vmem>>)
      tpu.yield
    }) : () -> ()
    %run_scoped3A_2 = arith.constant 1 : i32
    %run_scoped3A_3 = arith.constant 0 : i32
    "tpu.region"() ({
      %run_scoped3A_7 = tpu.sem_alloc : memref<!tpu.dma_semaphore, #tpu.memory_space<semaphore_mem>>
      %dma_start3A_8 = arith.constant 0 : i32
      %dma_start3A_9 = tpu.memref_slice %arg3[%arg0, %arg1, %run_scoped3A_2, %run_scoped3A_3, %dma_start3A_8] : memref<2x16x2x1x20480xi32, #tpu.memory_space<hbm>> -> memref<1x1x1x1x20480xi32, #tpu.memory_space<hbm>>
      %dma_start3A_10 = tpu.memref_squeeze %dma_start3A_9 : memref<1x1x1x1x20480xi32, #tpu.memory_space<hbm>> -> memref<20480xi32, #tpu.memory_space<hbm>>
      %dma_start3A_11 = arith.constant 0 : i32
      %dma_start3A_12 = tpu.memref_slice %arg3[%arg0, %arg1, %run_scoped3A_2, %run_scoped3A_3, %dma_start3A_11] : memref<2x16x2x1x20480xi32, #tpu.memory_space<hbm>> -> memref<1x1x1x1x20480xi32, #tpu.memory_space<hbm>>
      %dma_start3A_13 = tpu.memref_squeeze %dma_start3A_12 : memref<1x1x1x1x20480xi32, #tpu.memory_space<hbm>> -> memref<20480xi32, #tpu.memory_space<hbm>>
      tpu.enqueue_dma source(%dma_start3A_13 : memref<20480xi32, #tpu.memory_space<hbm>>) target(%arg9 : memref<20480xi32, #tpu.memory_space<vmem>>) target_semaphore(%run_scoped3A_7 : memref<!tpu.dma_semaphore, #tpu.memory_space<semaphore_mem>>)
      %dma_wait3A_14 = arith.constant 0 : i32
      %dma_wait3A_15 = tpu.memref_slice %arg3[%arg0, %arg1, %run_scoped3A_2, %run_scoped3A_3, %dma_wait3A_14] : memref<2x16x2x1x20480xi32, #tpu.memory_space<hbm>> -> memref<1x1x1x1x20480xi32, #tpu.memory_space<hbm>>
      %dma_wait3A_16 = tpu.memref_squeeze %dma_wait3A_15 : memref<1x1x1x1x20480xi32, #tpu.memory_space<hbm>> -> memref<20480xi32, #tpu.memory_space<hbm>>
      %dma_wait3A_17 = arith.constant 0 : i32
      %dma_wait3A_18 = tpu.memref_slice %arg3[%arg0, %arg1, %run_scoped3A_2, %run_scoped3A_3, %dma_wait3A_17] : memref<2x16x2x1x20480xi32, #tpu.memory_space<hbm>> -> memref<1x1x1x1x20480xi32, #tpu.memory_space<hbm>>
      %dma_wait3A_19 = tpu.memref_squeeze %dma_wait3A_18 : memref<1x1x1x1x20480xi32, #tpu.memory_space<hbm>> -> memref<20480xi32, #tpu.memory_space<hbm>>
      tpu.wait_dma2 semaphore(%run_scoped3A_7 : memref<!tpu.dma_semaphore, #tpu.memory_space<semaphore_mem>>) src(%dma_wait3A_19 : memref<20480xi32, #tpu.memory_space<hbm>>) dst(%arg9 : memref<20480xi32, #tpu.memory_space<vmem>>)
      tpu.yield
    }) : () -> ()
    %barrier3A = arith.constant 0 : index
    tpu.barrier barrier_id(%barrier3A)
    %dma_start3A = arith.constant 0 : i32
    %dma_start3A_4 = tpu.memref_slice %arg6[%dma_start3A] : memref<40960xf32, #tpu.memory_space<vmem_shared>> -> memref<40960xf32, #tpu.memory_space<vmem_shared>>
    tpu.enqueue_indirect_dma source(%dma_start3A_4 : memref<40960xf32, #tpu.memory_space<vmem_shared>>) target(%arg10 : memref<20480xf32, #tpu.memory_space<vmem>>) offsets(%arg8 : memref<20480xi32, #tpu.memory_space<vmem>>) semaphore(%arg11 : memref<!tpu.dma_semaphore, #tpu.memory_space<semaphore_mem>>)
    %dma_wait3A = arith.constant 0 : i32
    %dma_wait3A_5 = tpu.memref_slice %arg6[%dma_wait3A] : memref<40960xf32, #tpu.memory_space<vmem_shared>> -> memref<40960xf32, #tpu.memory_space<vmem_shared>>
    tpu.wait_indirect_dma semaphore(%arg11 : memref<!tpu.dma_semaphore, #tpu.memory_space<semaphore_mem>>) src(%dma_wait3A_5 : memref<40960xf32, #tpu.memory_space<vmem_shared>>) dst(%arg10 : memref<20480xf32, #tpu.memory_space<vmem>>)
    "tpu.region"() ({
      %run_scoped3A_7 = tpu.sem_alloc : memref<!tpu.dma_semaphore, #tpu.memory_space<semaphore_mem>>
      %dma_start3A_8 = arith.constant 0 : i32
      %dma_start3A_9 = tpu.memref_slice %arg7[%dma_start3A_8] : memref<40960xf32, #tpu.memory_space<vmem_shared>> -> memref<40960xf32, #tpu.memory_space<vmem_shared>>
      tpu.enqueue_indirect_dma source(%arg10 : memref<20480xf32, #tpu.memory_space<vmem>>) target(%dma_start3A_9 : memref<40960xf32, #tpu.memory_space<vmem_shared>>) offsets(%arg9 : memref<20480xi32, #tpu.memory_space<vmem>>) semaphore(%run_scoped3A_7 : memref<!tpu.dma_semaphore, #tpu.memory_space<semaphore_mem>>) {add = true}
      %dma_wait3A_10 = arith.constant 0 : i32
      %dma_wait3A_11 = tpu.memref_slice %arg7[%dma_wait3A_10] : memref<40960xf32, #tpu.memory_space<vmem_shared>> -> memref<40960xf32, #tpu.memory_space<vmem_shared>>
      tpu.wait_indirect_dma semaphore(%run_scoped3A_7 : memref<!tpu.dma_semaphore, #tpu.memory_space<semaphore_mem>>) src(%arg10 : memref<20480xf32, #tpu.memory_space<vmem>>) dst(%dma_wait3A_11 : memref<40960xf32, #tpu.memory_space<vmem_shared>>)
      tpu.yield
    }) : () -> ()
    %barrier3A_6 = arith.constant 0 : index
    tpu.barrier barrier_id(%barrier3A_6)
    "tpu.region"() ({
      %run_scoped3A_7 = tpu.sem_alloc : memref<!tpu.dma_semaphore, #tpu.memory_space<semaphore_mem>>
      %dma_start3A_8 = arith.constant 0 : i32
      %dma_start3A_9 = tpu.memref_slice %arg5[%arg0, %dma_start3A_8] : memref<2x40960xf32, #tpu.memory_space<hbm>> -> memref<1x40960xf32, #tpu.memory_space<hbm>>
      %dma_start3A_10 = tpu.memref_squeeze %dma_start3A_9 : memref<1x40960xf32, #tpu.memory_space<hbm>> -> memref<40960xf32, #tpu.memory_space<hbm>>
      %dma_start3A_11 = tpu.memref_slice %dma_start3A_10[%mul3A_0] : memref<40960xf32, #tpu.memory_space<hbm>> -> memref<2560xf32, #tpu.memory_space<hbm>>
      %dma_start3A_12 = tpu.memref_slice %arg7[%mul3A_0] : memref<40960xf32, #tpu.memory_space<vmem_shared>> -> memref<2560xf32, #tpu.memory_space<vmem_shared>>
      tpu.enqueue_dma source(%dma_start3A_12 : memref<2560xf32, #tpu.memory_space<vmem_shared>>) target(%dma_start3A_11 : memref<2560xf32, #tpu.memory_space<hbm>>) target_semaphore(%run_scoped3A_7 : memref<!tpu.dma_semaphore, #tpu.memory_space<semaphore_mem>>)
      %dma_wait3A_13 = arith.constant 0 : i32
      %dma_wait3A_14 = tpu.memref_slice %arg5[%arg0, %dma_wait3A_13] : memref<2x40960xf32, #tpu.memory_space<hbm>> -> memref<1x40960xf32, #tpu.memory_space<hbm>>
      %dma_wait3A_15 = tpu.memref_squeeze %dma_wait3A_14 : memref<1x40960xf32, #tpu.memory_space<hbm>> -> memref<40960xf32, #tpu.memory_space<hbm>>
      %dma_wait3A_16 = tpu.memref_slice %dma_wait3A_15[%mul3A_0] : memref<40960xf32, #tpu.memory_space<hbm>> -> memref<2560xf32, #tpu.memory_space<hbm>>
      %dma_wait3A_17 = tpu.memref_slice %arg7[%mul3A_0] : memref<40960xf32, #tpu.memory_space<vmem_shared>> -> memref<2560xf32, #tpu.memory_space<vmem_shared>>
      tpu.wait_dma2 semaphore(%run_scoped3A_7 : memref<!tpu.dma_semaphore, #tpu.memory_space<semaphore_mem>>) src(%dma_wait3A_17 : memref<2560xf32, #tpu.memory_space<vmem_shared>>) dst(%dma_wait3A_16 : memref<2560xf32, #tpu.memory_space<hbm>>)
      tpu.yield
    }) : () -> ()
    return
  }
}

#map = affine_map<(d0, d1) -> (0)>
#map1 = affine_map<(d0, d1) -> (0, 0, 0, 0, 0)>
#map2 = affine_map<(d0, d1) -> (0, 0)>
module attributes {stable_mosaic.version = 14 : i64} {
  func.func @_sc_edge_agg(%arg0: i32, %arg1: i32, %arg2: memref<40960xf32, #tpu.memory_space<hbm>>, %arg3: memref<2x16x2x1x20480xi32, #tpu.memory_space<hbm>>, %arg4: memref<40960xf32, #tpu.memory_space<hbm>>, %arg5: memref<2x40960xf32, #tpu.memory_space<hbm>>, %arg6: memref<40960xf32, #tpu.memory_space<vmem_shared>>, %arg7: memref<40960xf32, #tpu.memory_space<vmem_shared>>, %arg8: memref<20480xi32, #tpu.memory_space<vmem>>, %arg9: memref<20480xi32, #tpu.memory_space<vmem>>, %arg10: memref<20480xf32, #tpu.memory_space<vmem>>, %arg11: memref<!tpu.dma_semaphore, #tpu.memory_space<semaphore_mem>>) attributes {dimension_semantics = [#tpu.dimension_semantics<core_parallel>, #tpu.dimension_semantics<subcore_parallel>], iteration_bounds = array<i64: 2, 16>, scalar_prefetch = 0 : i64, scratch_operands = 6 : i64, tpu.core_type = #tpu.core_type<sc_vector_subcore>, window_params = [{transform_indices = #map}, {transform_indices = #map1}, {transform_indices = #map}, {transform_indices = #map2}]} {
    %mul3A = arith.constant 2560 : i32
    %mul3A_0 = arith.muli %arg1, %mul3A : i32
    "tpu.region"() ({
      %run_scoped3A_7 = tpu.sem_alloc : memref<!tpu.dma_semaphore, #tpu.memory_space<semaphore_mem>>
      %dma_start3A_8 = tpu.memref_slice %arg6[%mul3A_0] : memref<40960xf32, #tpu.memory_space<vmem_shared>> -> memref<2560xf32, #tpu.memory_space<vmem_shared>>
      %dma_start3A_9 = tpu.memref_slice %arg2[%mul3A_0] : memref<40960xf32, #tpu.memory_space<hbm>> -> memref<2560xf32, #tpu.memory_space<hbm>>
      tpu.enqueue_dma source(%dma_start3A_9 : memref<2560xf32, #tpu.memory_space<hbm>>) target(%dma_start3A_8 : memref<2560xf32, #tpu.memory_space<vmem_shared>>) target_semaphore(%run_scoped3A_7 : memref<!tpu.dma_semaphore, #tpu.memory_space<semaphore_mem>>)
      %dma_wait3A_10 = tpu.memref_slice %arg6[%mul3A_0] : memref<40960xf32, #tpu.memory_space<vmem_shared>> -> memref<2560xf32, #tpu.memory_space<vmem_shared>>
      %dma_wait3A_11 = tpu.memref_slice %arg2[%mul3A_0] : memref<40960xf32, #tpu.memory_space<hbm>> -> memref<2560xf32, #tpu.memory_space<hbm>>
      tpu.wait_dma2 semaphore(%run_scoped3A_7 : memref<!tpu.dma_semaphore, #tpu.memory_space<semaphore_mem>>) src(%dma_wait3A_11 : memref<2560xf32, #tpu.memory_space<hbm>>) dst(%dma_wait3A_10 : memref<2560xf32, #tpu.memory_space<vmem_shared>>)
      tpu.yield
    }) : () -> ()
    "tpu.region"() ({
      %run_scoped3A_7 = tpu.sem_alloc : memref<!tpu.dma_semaphore, #tpu.memory_space<semaphore_mem>>
      %dma_start3A_8 = tpu.memref_slice %arg7[%mul3A_0] : memref<40960xf32, #tpu.memory_space<vmem_shared>> -> memref<2560xf32, #tpu.memory_space<vmem_shared>>
      %dma_start3A_9 = tpu.memref_slice %arg4[%mul3A_0] : memref<40960xf32, #tpu.memory_space<hbm>> -> memref<2560xf32, #tpu.memory_space<hbm>>
      tpu.enqueue_dma source(%dma_start3A_9 : memref<2560xf32, #tpu.memory_space<hbm>>) target(%dma_start3A_8 : memref<2560xf32, #tpu.memory_space<vmem_shared>>) target_semaphore(%run_scoped3A_7 : memref<!tpu.dma_semaphore, #tpu.memory_space<semaphore_mem>>)
      %dma_wait3A_10 = tpu.memref_slice %arg7[%mul3A_0] : memref<40960xf32, #tpu.memory_space<vmem_shared>> -> memref<2560xf32, #tpu.memory_space<vmem_shared>>
      %dma_wait3A_11 = tpu.memref_slice %arg4[%mul3A_0] : memref<40960xf32, #tpu.memory_space<hbm>> -> memref<2560xf32, #tpu.memory_space<hbm>>
      tpu.wait_dma2 semaphore(%run_scoped3A_7 : memref<!tpu.dma_semaphore, #tpu.memory_space<semaphore_mem>>) src(%dma_wait3A_11 : memref<2560xf32, #tpu.memory_space<hbm>>) dst(%dma_wait3A_10 : memref<2560xf32, #tpu.memory_space<vmem_shared>>)
      tpu.yield
    }) : () -> ()
    %run_scoped3A = arith.constant 0 : i32
    %run_scoped3A_1 = arith.constant 0 : i32
    "tpu.region"() ({
      %run_scoped3A_7 = tpu.sem_alloc : memref<!tpu.dma_semaphore, #tpu.memory_space<semaphore_mem>>
      %dma_start3A_8 = arith.constant 0 : i32
      %dma_start3A_9 = tpu.memref_slice %arg3[%arg0, %arg1, %run_scoped3A, %run_scoped3A_1, %dma_start3A_8] : memref<2x16x2x1x20480xi32, #tpu.memory_space<hbm>> -> memref<1x1x1x1x20480xi32, #tpu.memory_space<hbm>>
      %dma_start3A_10 = tpu.memref_squeeze %dma_start3A_9 : memref<1x1x1x1x20480xi32, #tpu.memory_space<hbm>> -> memref<20480xi32, #tpu.memory_space<hbm>>
      %dma_start3A_11 = arith.constant 0 : i32
      %dma_start3A_12 = tpu.memref_slice %arg3[%arg0, %arg1, %run_scoped3A, %run_scoped3A_1, %dma_start3A_11] : memref<2x16x2x1x20480xi32, #tpu.memory_space<hbm>> -> memref<1x1x1x1x20480xi32, #tpu.memory_space<hbm>>
      %dma_start3A_13 = tpu.memref_squeeze %dma_start3A_12 : memref<1x1x1x1x20480xi32, #tpu.memory_space<hbm>> -> memref<20480xi32, #tpu.memory_space<hbm>>
      tpu.enqueue_dma source(%dma_start3A_13 : memref<20480xi32, #tpu.memory_space<hbm>>) target(%arg8 : memref<20480xi32, #tpu.memory_space<vmem>>) target_semaphore(%run_scoped3A_7 : memref<!tpu.dma_semaphore, #tpu.memory_space<semaphore_mem>>)
      %dma_wait3A_14 = arith.constant 0 : i32
      %dma_wait3A_15 = tpu.memref_slice %arg3[%arg0, %arg1, %run_scoped3A, %run_scoped3A_1, %dma_wait3A_14] : memref<2x16x2x1x20480xi32, #tpu.memory_space<hbm>> -> memref<1x1x1x1x20480xi32, #tpu.memory_space<hbm>>
      %dma_wait3A_16 = tpu.memref_squeeze %dma_wait3A_15 : memref<1x1x1x1x20480xi32, #tpu.memory_space<hbm>> -> memref<20480xi32, #tpu.memory_space<hbm>>
      %dma_wait3A_17 = arith.constant 0 : i32
      %dma_wait3A_18 = tpu.memref_slice %arg3[%arg0, %arg1, %run_scoped3A, %run_scoped3A_1, %dma_wait3A_17] : memref<2x16x2x1x20480xi32, #tpu.memory_space<hbm>> -> memref<1x1x1x1x20480xi32, #tpu.memory_space<hbm>>
      %dma_wait3A_19 = tpu.memref_squeeze %dma_wait3A_18 : memref<1x1x1x1x20480xi32, #tpu.memory_space<hbm>> -> memref<20480xi32, #tpu.memory_space<hbm>>
      tpu.wait_dma2 semaphore(%run_scoped3A_7 : memref<!tpu.dma_semaphore, #tpu.memory_space<semaphore_mem>>) src(%dma_wait3A_19 : memref<20480xi32, #tpu.memory_space<hbm>>) dst(%arg8 : memref<20480xi32, #tpu.memory_space<vmem>>)
      tpu.yield
    }) : () -> ()
    %run_scoped3A_2 = arith.constant 1 : i32
    %run_scoped3A_3 = arith.constant 0 : i32
    "tpu.region"() ({
      %run_scoped3A_7 = tpu.sem_alloc : memref<!tpu.dma_semaphore, #tpu.memory_space<semaphore_mem>>
      %dma_start3A_8 = arith.constant 0 : i32
      %dma_start3A_9 = tpu.memref_slice %arg3[%arg0, %arg1, %run_scoped3A_2, %run_scoped3A_3, %dma_start3A_8] : memref<2x16x2x1x20480xi32, #tpu.memory_space<hbm>> -> memref<1x1x1x1x20480xi32, #tpu.memory_space<hbm>>
      %dma_start3A_10 = tpu.memref_squeeze %dma_start3A_9 : memref<1x1x1x1x20480xi32, #tpu.memory_space<hbm>> -> memref<20480xi32, #tpu.memory_space<hbm>>
      %dma_start3A_11 = arith.constant 0 : i32
      %dma_start3A_12 = tpu.memref_slice %arg3[%arg0, %arg1, %run_scoped3A_2, %run_scoped3A_3, %dma_start3A_11] : memref<2x16x2x1x20480xi32, #tpu.memory_space<hbm>> -> memref<1x1x1x1x20480xi32, #tpu.memory_space<hbm>>
      %dma_start3A_13 = tpu.memref_squeeze %dma_start3A_12 : memref<1x1x1x1x20480xi32, #tpu.memory_space<hbm>> -> memref<20480xi32, #tpu.memory_space<hbm>>
      tpu.enqueue_dma source(%dma_start3A_13 : memref<20480xi32, #tpu.memory_space<hbm>>) target(%arg9 : memref<20480xi32, #tpu.memory_space<vmem>>) target_semaphore(%run_scoped3A_7 : memref<!tpu.dma_semaphore, #tpu.memory_space<semaphore_mem>>)
      %dma_wait3A_14 = arith.constant 0 : i32
      %dma_wait3A_15 = tpu.memref_slice %arg3[%arg0, %arg1, %run_scoped3A_2, %run_scoped3A_3, %dma_wait3A_14] : memref<2x16x2x1x20480xi32, #tpu.memory_space<hbm>> -> memref<1x1x1x1x20480xi32, #tpu.memory_space<hbm>>
      %dma_wait3A_16 = tpu.memref_squeeze %dma_wait3A_15 : memref<1x1x1x1x20480xi32, #tpu.memory_space<hbm>> -> memref<20480xi32, #tpu.memory_space<hbm>>
      %dma_wait3A_17 = arith.constant 0 : i32
      %dma_wait3A_18 = tpu.memref_slice %arg3[%arg0, %arg1, %run_scoped3A_2, %run_scoped3A_3, %dma_wait3A_17] : memref<2x16x2x1x20480xi32, #tpu.memory_space<hbm>> -> memref<1x1x1x1x20480xi32, #tpu.memory_space<hbm>>
      %dma_wait3A_19 = tpu.memref_squeeze %dma_wait3A_18 : memref<1x1x1x1x20480xi32, #tpu.memory_space<hbm>> -> memref<20480xi32, #tpu.memory_space<hbm>>
      tpu.wait_dma2 semaphore(%run_scoped3A_7 : memref<!tpu.dma_semaphore, #tpu.memory_space<semaphore_mem>>) src(%dma_wait3A_19 : memref<20480xi32, #tpu.memory_space<hbm>>) dst(%arg9 : memref<20480xi32, #tpu.memory_space<vmem>>)
      tpu.yield
    }) : () -> ()
    %barrier3A = arith.constant 0 : index
    tpu.barrier barrier_id(%barrier3A)
    %dma_start3A = arith.constant 0 : i32
    %dma_start3A_4 = tpu.memref_slice %arg6[%dma_start3A] : memref<40960xf32, #tpu.memory_space<vmem_shared>> -> memref<40960xf32, #tpu.memory_space<vmem_shared>>
    tpu.enqueue_indirect_dma source(%dma_start3A_4 : memref<40960xf32, #tpu.memory_space<vmem_shared>>) target(%arg10 : memref<20480xf32, #tpu.memory_space<vmem>>) offsets(%arg8 : memref<20480xi32, #tpu.memory_space<vmem>>) semaphore(%arg11 : memref<!tpu.dma_semaphore, #tpu.memory_space<semaphore_mem>>)
    %dma_wait3A = arith.constant 0 : i32
    %dma_wait3A_5 = tpu.memref_slice %arg6[%dma_wait3A] : memref<40960xf32, #tpu.memory_space<vmem_shared>> -> memref<40960xf32, #tpu.memory_space<vmem_shared>>
    tpu.wait_indirect_dma semaphore(%arg11 : memref<!tpu.dma_semaphore, #tpu.memory_space<semaphore_mem>>) src(%dma_wait3A_5 : memref<40960xf32, #tpu.memory_space<vmem_shared>>) dst(%arg10 : memref<20480xf32, #tpu.memory_space<vmem>>)
    "tpu.region"() ({
      %run_scoped3A_7 = tpu.sem_alloc : memref<!tpu.dma_semaphore, #tpu.memory_space<semaphore_mem>>
      %dma_start3A_8 = arith.constant 0 : i32
      %dma_start3A_9 = tpu.memref_slice %arg7[%dma_start3A_8] : memref<40960xf32, #tpu.memory_space<vmem_shared>> -> memref<40960xf32, #tpu.memory_space<vmem_shared>>
      tpu.enqueue_indirect_dma source(%arg10 : memref<20480xf32, #tpu.memory_space<vmem>>) target(%dma_start3A_9 : memref<40960xf32, #tpu.memory_space<vmem_shared>>) offsets(%arg9 : memref<20480xi32, #tpu.memory_space<vmem>>) semaphore(%run_scoped3A_7 : memref<!tpu.dma_semaphore, #tpu.memory_space<semaphore_mem>>) {add = true}
      %dma_wait3A_10 = arith.constant 0 : i32
      %dma_wait3A_11 = tpu.memref_slice %arg7[%dma_wait3A_10] : memref<40960xf32, #tpu.memory_space<vmem_shared>> -> memref<40960xf32, #tpu.memory_space<vmem_shared>>
      tpu.wait_indirect_dma semaphore(%run_scoped3A_7 : memref<!tpu.dma_semaphore, #tpu.memory_space<semaphore_mem>>) src(%arg10 : memref<20480xf32, #tpu.memory_space<vmem>>) dst(%dma_wait3A_11 : memref<40960xf32, #tpu.memory_space<vmem_shared>>)
      tpu.yield
    }) : () -> ()
    %barrier3A_6 = arith.constant 0 : index
    tpu.barrier barrier_id(%barrier3A_6)
    "tpu.region"() ({
      %run_scoped3A_7 = tpu.sem_alloc : memref<!tpu.dma_semaphore, #tpu.memory_space<semaphore_mem>>
      %dma_start3A_8 = arith.constant 0 : i32
      %dma_start3A_9 = tpu.memref_slice %arg5[%arg0, %dma_start3A_8] : memref<2x40960xf32, #tpu.memory_space<hbm>> -> memref<1x40960xf32, #tpu.memory_space<hbm>>
      %dma_start3A_10 = tpu.memref_squeeze %dma_start3A_9 : memref<1x40960xf32, #tpu.memory_space<hbm>> -> memref<40960xf32, #tpu.memory_space<hbm>>
      %dma_start3A_11 = tpu.memref_slice %dma_start3A_10[%mul3A_0] : memref<40960xf32, #tpu.memory_space<hbm>> -> memref<2560xf32, #tpu.memory_space<hbm>>
      %dma_start3A_12 = tpu.memref_slice %arg7[%mul3A_0] : memref<40960xf32, #tpu.memory_space<vmem_shared>> -> memref<2560xf32, #tpu.memory_space<vmem_shared>>
      tpu.enqueue_dma source(%dma_start3A_12 : memref<2560xf32, #tpu.memory_space<vmem_shared>>) target(%dma_start3A_11 : memref<2560xf32, #tpu.memory_space<hbm>>) target_semaphore(%run_scoped3A_7 : memref<!tpu.dma_semaphore, #tpu.memory_space<semaphore_mem>>)
      %dma_wait3A_13 = arith.constant 0 : i32
      %dma_wait3A_14 = tpu.memref_slice %arg5[%arg0, %dma_wait3A_13] : memref<2x40960xf32, #tpu.memory_space<hbm>> -> memref<1x40960xf32, #tpu.memory_space<hbm>>
      %dma_wait3A_15 = tpu.memref_squeeze %dma_wait3A_14 : memref<1x40960xf32, #tpu.memory_space<hbm>> -> memref<40960xf32, #tpu.memory_space<hbm>>
      %dma_wait3A_16 = tpu.memref_slice %dma_wait3A_15[%mul3A_0] : memref<40960xf32, #tpu.memory_space<hbm>> -> memref<2560xf32, #tpu.memory_space<hbm>>
      %dma_wait3A_17 = tpu.memref_slice %arg7[%mul3A_0] : memref<40960xf32, #tpu.memory_space<vmem_shared>> -> memref<2560xf32, #tpu.memory_space<vmem_shared>>
      tpu.wait_dma2 semaphore(%run_scoped3A_7 : memref<!tpu.dma_semaphore, #tpu.memory_space<semaphore_mem>>) src(%dma_wait3A_17 : memref<2560xf32, #tpu.memory_space<vmem_shared>>) dst(%dma_wait3A_16 : memref<2560xf32, #tpu.memory_space<hbm>>)
      tpu.yield
    }) : () -> ()
    return
  }
}

#map = affine_map<(d0, d1) -> (0)>
#map1 = affine_map<(d0, d1) -> (0, 0, 0, 0, 0)>
#map2 = affine_map<(d0, d1) -> (0, 0)>
module attributes {stable_mosaic.version = 14 : i64} {
  func.func @_sc_edge_agg(%arg0: i32, %arg1: i32, %arg2: memref<40960xf32, #tpu.memory_space<hbm>>, %arg3: memref<2x16x2x1x20480xi32, #tpu.memory_space<hbm>>, %arg4: memref<40960xf32, #tpu.memory_space<hbm>>, %arg5: memref<2x40960xf32, #tpu.memory_space<hbm>>, %arg6: memref<40960xf32, #tpu.memory_space<vmem_shared>>, %arg7: memref<40960xf32, #tpu.memory_space<vmem_shared>>, %arg8: memref<20480xi32, #tpu.memory_space<vmem>>, %arg9: memref<20480xi32, #tpu.memory_space<vmem>>, %arg10: memref<20480xf32, #tpu.memory_space<vmem>>, %arg11: memref<!tpu.dma_semaphore, #tpu.memory_space<semaphore_mem>>) attributes {dimension_semantics = [#tpu.dimension_semantics<core_parallel>, #tpu.dimension_semantics<subcore_parallel>], iteration_bounds = array<i64: 2, 16>, scalar_prefetch = 0 : i64, scratch_operands = 6 : i64, tpu.core_type = #tpu.core_type<sc_vector_subcore>, window_params = [{transform_indices = #map}, {transform_indices = #map1}, {transform_indices = #map}, {transform_indices = #map2}]} {
    %mul3A = arith.constant 2560 : i32
    %mul3A_0 = arith.muli %arg1, %mul3A : i32
    "tpu.region"() ({
      %run_scoped3A_7 = tpu.sem_alloc : memref<!tpu.dma_semaphore, #tpu.memory_space<semaphore_mem>>
      %dma_start3A_8 = tpu.memref_slice %arg6[%mul3A_0] : memref<40960xf32, #tpu.memory_space<vmem_shared>> -> memref<2560xf32, #tpu.memory_space<vmem_shared>>
      %dma_start3A_9 = tpu.memref_slice %arg2[%mul3A_0] : memref<40960xf32, #tpu.memory_space<hbm>> -> memref<2560xf32, #tpu.memory_space<hbm>>
      tpu.enqueue_dma source(%dma_start3A_9 : memref<2560xf32, #tpu.memory_space<hbm>>) target(%dma_start3A_8 : memref<2560xf32, #tpu.memory_space<vmem_shared>>) target_semaphore(%run_scoped3A_7 : memref<!tpu.dma_semaphore, #tpu.memory_space<semaphore_mem>>)
      %dma_wait3A_10 = tpu.memref_slice %arg6[%mul3A_0] : memref<40960xf32, #tpu.memory_space<vmem_shared>> -> memref<2560xf32, #tpu.memory_space<vmem_shared>>
      %dma_wait3A_11 = tpu.memref_slice %arg2[%mul3A_0] : memref<40960xf32, #tpu.memory_space<hbm>> -> memref<2560xf32, #tpu.memory_space<hbm>>
      tpu.wait_dma2 semaphore(%run_scoped3A_7 : memref<!tpu.dma_semaphore, #tpu.memory_space<semaphore_mem>>) src(%dma_wait3A_11 : memref<2560xf32, #tpu.memory_space<hbm>>) dst(%dma_wait3A_10 : memref<2560xf32, #tpu.memory_space<vmem_shared>>)
      tpu.yield
    }) : () -> ()
    "tpu.region"() ({
      %run_scoped3A_7 = tpu.sem_alloc : memref<!tpu.dma_semaphore, #tpu.memory_space<semaphore_mem>>
      %dma_start3A_8 = tpu.memref_slice %arg7[%mul3A_0] : memref<40960xf32, #tpu.memory_space<vmem_shared>> -> memref<2560xf32, #tpu.memory_space<vmem_shared>>
      %dma_start3A_9 = tpu.memref_slice %arg4[%mul3A_0] : memref<40960xf32, #tpu.memory_space<hbm>> -> memref<2560xf32, #tpu.memory_space<hbm>>
      tpu.enqueue_dma source(%dma_start3A_9 : memref<2560xf32, #tpu.memory_space<hbm>>) target(%dma_start3A_8 : memref<2560xf32, #tpu.memory_space<vmem_shared>>) target_semaphore(%run_scoped3A_7 : memref<!tpu.dma_semaphore, #tpu.memory_space<semaphore_mem>>)
      %dma_wait3A_10 = tpu.memref_slice %arg7[%mul3A_0] : memref<40960xf32, #tpu.memory_space<vmem_shared>> -> memref<2560xf32, #tpu.memory_space<vmem_shared>>
      %dma_wait3A_11 = tpu.memref_slice %arg4[%mul3A_0] : memref<40960xf32, #tpu.memory_space<hbm>> -> memref<2560xf32, #tpu.memory_space<hbm>>
      tpu.wait_dma2 semaphore(%run_scoped3A_7 : memref<!tpu.dma_semaphore, #tpu.memory_space<semaphore_mem>>) src(%dma_wait3A_11 : memref<2560xf32, #tpu.memory_space<hbm>>) dst(%dma_wait3A_10 : memref<2560xf32, #tpu.memory_space<vmem_shared>>)
      tpu.yield
    }) : () -> ()
    %run_scoped3A = arith.constant 0 : i32
    %run_scoped3A_1 = arith.constant 0 : i32
    "tpu.region"() ({
      %run_scoped3A_7 = tpu.sem_alloc : memref<!tpu.dma_semaphore, #tpu.memory_space<semaphore_mem>>
      %dma_start3A_8 = arith.constant 0 : i32
      %dma_start3A_9 = tpu.memref_slice %arg3[%arg0, %arg1, %run_scoped3A, %run_scoped3A_1, %dma_start3A_8] : memref<2x16x2x1x20480xi32, #tpu.memory_space<hbm>> -> memref<1x1x1x1x20480xi32, #tpu.memory_space<hbm>>
      %dma_start3A_10 = tpu.memref_squeeze %dma_start3A_9 : memref<1x1x1x1x20480xi32, #tpu.memory_space<hbm>> -> memref<20480xi32, #tpu.memory_space<hbm>>
      %dma_start3A_11 = arith.constant 0 : i32
      %dma_start3A_12 = tpu.memref_slice %arg3[%arg0, %arg1, %run_scoped3A, %run_scoped3A_1, %dma_start3A_11] : memref<2x16x2x1x20480xi32, #tpu.memory_space<hbm>> -> memref<1x1x1x1x20480xi32, #tpu.memory_space<hbm>>
      %dma_start3A_13 = tpu.memref_squeeze %dma_start3A_12 : memref<1x1x1x1x20480xi32, #tpu.memory_space<hbm>> -> memref<20480xi32, #tpu.memory_space<hbm>>
      tpu.enqueue_dma source(%dma_start3A_13 : memref<20480xi32, #tpu.memory_space<hbm>>) target(%arg8 : memref<20480xi32, #tpu.memory_space<vmem>>) target_semaphore(%run_scoped3A_7 : memref<!tpu.dma_semaphore, #tpu.memory_space<semaphore_mem>>)
      %dma_wait3A_14 = arith.constant 0 : i32
      %dma_wait3A_15 = tpu.memref_slice %arg3[%arg0, %arg1, %run_scoped3A, %run_scoped3A_1, %dma_wait3A_14] : memref<2x16x2x1x20480xi32, #tpu.memory_space<hbm>> -> memref<1x1x1x1x20480xi32, #tpu.memory_space<hbm>>
      %dma_wait3A_16 = tpu.memref_squeeze %dma_wait3A_15 : memref<1x1x1x1x20480xi32, #tpu.memory_space<hbm>> -> memref<20480xi32, #tpu.memory_space<hbm>>
      %dma_wait3A_17 = arith.constant 0 : i32
      %dma_wait3A_18 = tpu.memref_slice %arg3[%arg0, %arg1, %run_scoped3A, %run_scoped3A_1, %dma_wait3A_17] : memref<2x16x2x1x20480xi32, #tpu.memory_space<hbm>> -> memref<1x1x1x1x20480xi32, #tpu.memory_space<hbm>>
      %dma_wait3A_19 = tpu.memref_squeeze %dma_wait3A_18 : memref<1x1x1x1x20480xi32, #tpu.memory_space<hbm>> -> memref<20480xi32, #tpu.memory_space<hbm>>
      tpu.wait_dma2 semaphore(%run_scoped3A_7 : memref<!tpu.dma_semaphore, #tpu.memory_space<semaphore_mem>>) src(%dma_wait3A_19 : memref<20480xi32, #tpu.memory_space<hbm>>) dst(%arg8 : memref<20480xi32, #tpu.memory_space<vmem>>)
      tpu.yield
    }) : () -> ()
    %run_scoped3A_2 = arith.constant 1 : i32
    %run_scoped3A_3 = arith.constant 0 : i32
    "tpu.region"() ({
      %run_scoped3A_7 = tpu.sem_alloc : memref<!tpu.dma_semaphore, #tpu.memory_space<semaphore_mem>>
      %dma_start3A_8 = arith.constant 0 : i32
      %dma_start3A_9 = tpu.memref_slice %arg3[%arg0, %arg1, %run_scoped3A_2, %run_scoped3A_3, %dma_start3A_8] : memref<2x16x2x1x20480xi32, #tpu.memory_space<hbm>> -> memref<1x1x1x1x20480xi32, #tpu.memory_space<hbm>>
      %dma_start3A_10 = tpu.memref_squeeze %dma_start3A_9 : memref<1x1x1x1x20480xi32, #tpu.memory_space<hbm>> -> memref<20480xi32, #tpu.memory_space<hbm>>
      %dma_start3A_11 = arith.constant 0 : i32
      %dma_start3A_12 = tpu.memref_slice %arg3[%arg0, %arg1, %run_scoped3A_2, %run_scoped3A_3, %dma_start3A_11] : memref<2x16x2x1x20480xi32, #tpu.memory_space<hbm>> -> memref<1x1x1x1x20480xi32, #tpu.memory_space<hbm>>
      %dma_start3A_13 = tpu.memref_squeeze %dma_start3A_12 : memref<1x1x1x1x20480xi32, #tpu.memory_space<hbm>> -> memref<20480xi32, #tpu.memory_space<hbm>>
      tpu.enqueue_dma source(%dma_start3A_13 : memref<20480xi32, #tpu.memory_space<hbm>>) target(%arg9 : memref<20480xi32, #tpu.memory_space<vmem>>) target_semaphore(%run_scoped3A_7 : memref<!tpu.dma_semaphore, #tpu.memory_space<semaphore_mem>>)
      %dma_wait3A_14 = arith.constant 0 : i32
      %dma_wait3A_15 = tpu.memref_slice %arg3[%arg0, %arg1, %run_scoped3A_2, %run_scoped3A_3, %dma_wait3A_14] : memref<2x16x2x1x20480xi32, #tpu.memory_space<hbm>> -> memref<1x1x1x1x20480xi32, #tpu.memory_space<hbm>>
      %dma_wait3A_16 = tpu.memref_squeeze %dma_wait3A_15 : memref<1x1x1x1x20480xi32, #tpu.memory_space<hbm>> -> memref<20480xi32, #tpu.memory_space<hbm>>
      %dma_wait3A_17 = arith.constant 0 : i32
      %dma_wait3A_18 = tpu.memref_slice %arg3[%arg0, %arg1, %run_scoped3A_2, %run_scoped3A_3, %dma_wait3A_17] : memref<2x16x2x1x20480xi32, #tpu.memory_space<hbm>> -> memref<1x1x1x1x20480xi32, #tpu.memory_space<hbm>>
      %dma_wait3A_19 = tpu.memref_squeeze %dma_wait3A_18 : memref<1x1x1x1x20480xi32, #tpu.memory_space<hbm>> -> memref<20480xi32, #tpu.memory_space<hbm>>
      tpu.wait_dma2 semaphore(%run_scoped3A_7 : memref<!tpu.dma_semaphore, #tpu.memory_space<semaphore_mem>>) src(%dma_wait3A_19 : memref<20480xi32, #tpu.memory_space<hbm>>) dst(%arg9 : memref<20480xi32, #tpu.memory_space<vmem>>)
      tpu.yield
    }) : () -> ()
    %barrier3A = arith.constant 0 : index
    tpu.barrier barrier_id(%barrier3A)
    %dma_start3A = arith.constant 0 : i32
    %dma_start3A_4 = tpu.memref_slice %arg6[%dma_start3A] : memref<40960xf32, #tpu.memory_space<vmem_shared>> -> memref<40960xf32, #tpu.memory_space<vmem_shared>>
    tpu.enqueue_indirect_dma source(%dma_start3A_4 : memref<40960xf32, #tpu.memory_space<vmem_shared>>) target(%arg10 : memref<20480xf32, #tpu.memory_space<vmem>>) offsets(%arg8 : memref<20480xi32, #tpu.memory_space<vmem>>) semaphore(%arg11 : memref<!tpu.dma_semaphore, #tpu.memory_space<semaphore_mem>>)
    %dma_wait3A = arith.constant 0 : i32
    %dma_wait3A_5 = tpu.memref_slice %arg6[%dma_wait3A] : memref<40960xf32, #tpu.memory_space<vmem_shared>> -> memref<40960xf32, #tpu.memory_space<vmem_shared>>
    tpu.wait_indirect_dma semaphore(%arg11 : memref<!tpu.dma_semaphore, #tpu.memory_space<semaphore_mem>>) src(%dma_wait3A_5 : memref<40960xf32, #tpu.memory_space<vmem_shared>>) dst(%arg10 : memref<20480xf32, #tpu.memory_space<vmem>>)
    "tpu.region"() ({
      %run_scoped3A_7 = tpu.sem_alloc : memref<!tpu.dma_semaphore, #tpu.memory_space<semaphore_mem>>
      %dma_start3A_8 = arith.constant 0 : i32
      %dma_start3A_9 = tpu.memref_slice %arg7[%dma_start3A_8] : memref<40960xf32, #tpu.memory_space<vmem_shared>> -> memref<40960xf32, #tpu.memory_space<vmem_shared>>
      tpu.enqueue_indirect_dma source(%arg10 : memref<20480xf32, #tpu.memory_space<vmem>>) target(%dma_start3A_9 : memref<40960xf32, #tpu.memory_space<vmem_shared>>) offsets(%arg9 : memref<20480xi32, #tpu.memory_space<vmem>>) semaphore(%run_scoped3A_7 : memref<!tpu.dma_semaphore, #tpu.memory_space<semaphore_mem>>) {add = true}
      %dma_wait3A_10 = arith.constant 0 : i32
      %dma_wait3A_11 = tpu.memref_slice %arg7[%dma_wait3A_10] : memref<40960xf32, #tpu.memory_space<vmem_shared>> -> memref<40960xf32, #tpu.memory_space<vmem_shared>>
      tpu.wait_indirect_dma semaphore(%run_scoped3A_7 : memref<!tpu.dma_semaphore, #tpu.memory_space<semaphore_mem>>) src(%arg10 : memref<20480xf32, #tpu.memory_space<vmem>>) dst(%dma_wait3A_11 : memref<40960xf32, #tpu.memory_space<vmem_shared>>)
      tpu.yield
    }) : () -> ()
    %barrier3A_6 = arith.constant 0 : index
    tpu.barrier barrier_id(%barrier3A_6)
    "tpu.region"() ({
      %run_scoped3A_7 = tpu.sem_alloc : memref<!tpu.dma_semaphore, #tpu.memory_space<semaphore_mem>>
      %dma_start3A_8 = arith.constant 0 : i32
      %dma_start3A_9 = tpu.memref_slice %arg5[%arg0, %dma_start3A_8] : memref<2x40960xf32, #tpu.memory_space<hbm>> -> memref<1x40960xf32, #tpu.memory_space<hbm>>
      %dma_start3A_10 = tpu.memref_squeeze %dma_start3A_9 : memref<1x40960xf32, #tpu.memory_space<hbm>> -> memref<40960xf32, #tpu.memory_space<hbm>>
      %dma_start3A_11 = tpu.memref_slice %dma_start3A_10[%mul3A_0] : memref<40960xf32, #tpu.memory_space<hbm>> -> memref<2560xf32, #tpu.memory_space<hbm>>
      %dma_start3A_12 = tpu.memref_slice %arg7[%mul3A_0] : memref<40960xf32, #tpu.memory_space<vmem_shared>> -> memref<2560xf32, #tpu.memory_space<vmem_shared>>
      tpu.enqueue_dma source(%dma_start3A_12 : memref<2560xf32, #tpu.memory_space<vmem_shared>>) target(%dma_start3A_11 : memref<2560xf32, #tpu.memory_space<hbm>>) target_semaphore(%run_scoped3A_7 : memref<!tpu.dma_semaphore, #tpu.memory_space<semaphore_mem>>)
      %dma_wait3A_13 = arith.constant 0 : i32
      %dma_wait3A_14 = tpu.memref_slice %arg5[%arg0, %dma_wait3A_13] : memref<2x40960xf32, #tpu.memory_space<hbm>> -> memref<1x40960xf32, #tpu.memory_space<hbm>>
      %dma_wait3A_15 = tpu.memref_squeeze %dma_wait3A_14 : memref<1x40960xf32, #tpu.memory_space<hbm>> -> memref<40960xf32, #tpu.memory_space<hbm>>
      %dma_wait3A_16 = tpu.memref_slice %dma_wait3A_15[%mul3A_0] : memref<40960xf32, #tpu.memory_space<hbm>> -> memref<2560xf32, #tpu.memory_space<hbm>>
      %dma_wait3A_17 = tpu.memref_slice %arg7[%mul3A_0] : memref<40960xf32, #tpu.memory_space<vmem_shared>> -> memref<2560xf32, #tpu.memory_space<vmem_shared>>
      tpu.wait_dma2 semaphore(%run_scoped3A_7 : memref<!tpu.dma_semaphore, #tpu.memory_space<semaphore_mem>>) src(%dma_wait3A_17 : memref<2560xf32, #tpu.memory_space<vmem_shared>>) dst(%dma_wait3A_16 : memref<2560xf32, #tpu.memory_space<hbm>>)
      tpu.yield
    }) : () -> ()
    return
  }
}

module attributes {stable_mosaic.version = 14 : i64} {
  func.func @_tc1_body(%arg0: memref<320x8192xf32, #tpu.memory_space<vmem>>, %arg1: memref<8192x128xf32, #tpu.memory_space<vmem>>, %arg2: memref<8192x128xf32, #tpu.memory_space<vmem>>, %arg3: memref<320x128xf32, #tpu.memory_space<vmem>>, %arg4: memref<320x128xf32, #tpu.memory_space<vmem>>) attributes {dimension_semantics = [], scalar_prefetch = 0 : i64, scratch_operands = 0 : i64, tpu.core_type = #tpu.core_type<tc>} {
    %get3A = arith.constant 0 : index
    %get3A_0 = arith.constant 0 : index
    %get3A_1 = vector.load %arg0[%get3A, %get3A_0] : memref<320x8192xf32, #tpu.memory_space<vmem>>, vector<320x8192xf32>
    %get3A_2 = arith.constant 0 : index
    %get3A_3 = arith.constant 0 : index
    %get3A_4 = vector.load %arg1[%get3A_2, %get3A_3] : memref<8192x128xf32, #tpu.memory_space<vmem>>, vector<8192x128xf32>
    %dot_general3A = arith.constant dense<0.000000e+00> : vector<320x128xf32>
    %dot_general3A_5 = tpu.matmul %get3A_1, %get3A_4, %dot_general3A {dimension_numbers = #tpu.dot_dimension_numbers<[1], [0], [0], [1], [0, 0, 1, 1], [], []>, transpose_lhs_hint = false} : vector<320x8192xf32>, vector<8192x128xf32>, vector<320x128xf32> -> vector<320x128xf32>
    %swap3A = arith.constant 0 : index
    %swap3A_6 = arith.constant 0 : index
    %swap3A_7 = vector.load %arg3[%swap3A, %swap3A_6] : memref<320x128xf32, #tpu.memory_space<vmem>>, vector<320x128xf32>
    tpu.vector_store %arg3[%swap3A, %swap3A_6], %dot_general3A_5 {strides = array<i32>} : memref<320x128xf32, #tpu.memory_space<vmem>>, vector<320x128xf32>,
    %get3A_8 = arith.constant 0 : index
    %get3A_9 = arith.constant 0 : index
    %get3A_10 = vector.load %arg2[%get3A_8, %get3A_9] : memref<8192x128xf32, #tpu.memory_space<vmem>>, vector<8192x128xf32>
    %dot_general3A_11 = arith.constant dense<0.000000e+00> : vector<320x128xf32>
    %dot_general3A_12 = tpu.matmul %get3A_1, %get3A_10, %dot_general3A_11 {dimension_numbers = #tpu.dot_dimension_numbers<[1], [0], [0], [1], [0, 0, 1, 1], [], []>, transpose_lhs_hint = false} : vector<320x8192xf32>, vector<8192x128xf32>, vector<320x128xf32> -> vector<320x128xf32>
    %swap3A_13 = arith.constant 0 : index
    %swap3A_14 = arith.constant 0 : index
    %swap3A_15 = vector.load %arg4[%swap3A_13, %swap3A_14] : memref<320x128xf32, #tpu.memory_space<vmem>>, vector<320x128xf32>
    tpu.vector_store %arg4[%swap3A_13, %swap3A_14], %dot_general3A_12 {strides = array<i32>} : memref<320x128xf32, #tpu.memory_space<vmem>>, vector<320x128xf32>,
    return
  }
}

module attributes {stable_mosaic.version = 14 : i64} {
  func.func @_tcmid_body(%arg0: memref<2x320x128xf32, #tpu.memory_space<vmem>>, %arg1: memref<320x128xf32, #tpu.memory_space<vmem>>, %arg2: memref<1x128xf32, #tpu.memory_space<vmem>>, %arg3: memref<128x128xf32, #tpu.memory_space<vmem>>, %arg4: memref<128x128xf32, #tpu.memory_space<vmem>>, %arg5: memref<320x128xf32, #tpu.memory_space<vmem>>, %arg6: memref<320x128xf32, #tpu.memory_space<vmem>>) attributes {dimension_semantics = [], scalar_prefetch = 0 : i64, scratch_operands = 0 : i64, tpu.core_type = #tpu.core_type<tc>} {
    %get3A = arith.constant 0 : index
    %get3A_0 = arith.constant 0 : index
    %get3A_1 = arith.constant 0 : index
    %get3A_2 = vector.load %arg0[%get3A, %get3A_0, %get3A_1] : memref<2x320x128xf32, #tpu.memory_space<vmem>>, vector<1x320x128xf32>
    %get3A_3 = vector.shape_cast %get3A_2 : vector<1x320x128xf32> to vector<320x128xf32>
    %get3A_4 = arith.constant 1 : index
    %get3A_5 = arith.constant 0 : index
    %get3A_6 = arith.constant 0 : index
    %get3A_7 = vector.load %arg0[%get3A_4, %get3A_5, %get3A_6] : memref<2x320x128xf32, #tpu.memory_space<vmem>>, vector<1x320x128xf32>
    %get3A_8 = vector.shape_cast %get3A_7 : vector<1x320x128xf32> to vector<320x128xf32>
    %add3A = arith.addf %get3A_3, %get3A_8 : vector<320x128xf32>
    %get3A_9 = arith.constant 0 : index
    %get3A_10 = arith.constant 0 : index
    %get3A_11 = vector.load %arg1[%get3A_9, %get3A_10] : memref<320x128xf32, #tpu.memory_space<vmem>>, vector<320x128xf32>
    %add3A_12 = arith.addf %add3A, %get3A_11 : vector<320x128xf32>
    %get3A_13 = arith.constant 0 : index
    %get3A_14 = arith.constant 0 : index
    %get3A_15 = vector.load %arg2[%get3A_13, %get3A_14] : memref<1x128xf32, #tpu.memory_space<vmem>>, vector<1x128xf32>
    %add3A_16 = vector.broadcast %get3A_15 : vector<1x128xf32> to vector<320x128xf32>
    %add3A_17 = arith.addf %add3A_12, %add3A_16 : vector<320x128xf32>
    %tanh3A = math.tanh %add3A_17 : vector<320x128xf32>
    %get3A_18 = arith.constant 0 : index
    %get3A_19 = arith.constant 0 : index
    %get3A_20 = vector.load %arg3[%get3A_18, %get3A_19] : memref<128x128xf32, #tpu.memory_space<vmem>>, vector<128x128xf32>
    %dot_general3A = arith.constant dense<0.000000e+00> : vector<320x128xf32>
    %dot_general3A_21 = tpu.matmul %tanh3A, %get3A_20, %dot_general3A {dimension_numbers = #tpu.dot_dimension_numbers<[1], [0], [0], [1], [0, 0, 1, 1], [], []>, transpose_lhs_hint = false} : vector<320x128xf32>, vector<128x128xf32>, vector<320x128xf32> -> vector<320x128xf32>
    %swap3A = arith.constant 0 : index
    %swap3A_22 = arith.constant 0 : index
    %swap3A_23 = vector.load %arg5[%swap3A, %swap3A_22] : memref<320x128xf32, #tpu.memory_space<vmem>>, vector<320x128xf32>
    tpu.vector_store %arg5[%swap3A, %swap3A_22], %dot_general3A_21 {strides = array<i32>} : memref<320x128xf32, #tpu.memory_space<vmem>>, vector<320x128xf32>,
    %get3A_24 = arith.constant 0 : index
    %get3A_25 = arith.constant 0 : index
    %get3A_26 = vector.load %arg4[%get3A_24, %get3A_25] : memref<128x128xf32, #tpu.memory_space<vmem>>, vector<128x128xf32>
    %dot_general3A_27 = arith.constant dense<0.000000e+00> : vector<320x128xf32>
    %dot_general3A_28 = tpu.matmul %tanh3A, %get3A_26, %dot_general3A_27 {dimension_numbers = #tpu.dot_dimension_numbers<[1], [0], [0], [1], [0, 0, 1, 1], [], []>, transpose_lhs_hint = false} : vector<320x128xf32>, vector<128x128xf32>, vector<320x128xf32> -> vector<320x128xf32>
    %swap3A_29 = arith.constant 0 : index
    %swap3A_30 = arith.constant 0 : index
    %swap3A_31 = vector.load %arg6[%swap3A_29, %swap3A_30] : memref<320x128xf32, #tpu.memory_space<vmem>>, vector<320x128xf32>
    tpu.vector_store %arg6[%swap3A_29, %swap3A_30], %dot_general3A_28 {strides = array<i32>} : memref<320x128xf32, #tpu.memory_space<vmem>>, vector<320x128xf32>,
    return
  }
}

module attributes {stable_mosaic.version = 14 : i64} {
  func.func @_tcfin_body(%arg0: memref<2x320x128xf32, #tpu.memory_space<vmem>>, %arg1: memref<320x128xf32, #tpu.memory_space<vmem>>, %arg2: memref<1x128xf32, #tpu.memory_space<vmem>>, %arg3: memref<320x128xf32, #tpu.memory_space<vmem>>) attributes {dimension_semantics = [], scalar_prefetch = 0 : i64, scratch_operands = 0 : i64, tpu.core_type = #tpu.core_type<tc>} {
    %get3A = arith.constant 0 : index
    %get3A_0 = arith.constant 0 : index
    %get3A_1 = arith.constant 0 : index
    %get3A_2 = vector.load %arg0[%get3A, %get3A_0, %get3A_1] : memref<2x320x128xf32, #tpu.memory_space<vmem>>, vector<1x320x128xf32>
    %get3A_3 = vector.shape_cast %get3A_2 : vector<1x320x128xf32> to vector<320x128xf32>
    %get3A_4 = arith.constant 1 : index
    %get3A_5 = arith.constant 0 : index
    %get3A_6 = arith.constant 0 : index
    %get3A_7 = vector.load %arg0[%get3A_4, %get3A_5, %get3A_6] : memref<2x320x128xf32, #tpu.memory_space<vmem>>, vector<1x320x128xf32>
    %get3A_8 = vector.shape_cast %get3A_7 : vector<1x320x128xf32> to vector<320x128xf32>
    %add3A = arith.addf %get3A_3, %get3A_8 : vector<320x128xf32>
    %get3A_9 = arith.constant 0 : index
    %get3A_10 = arith.constant 0 : index
    %get3A_11 = vector.load %arg1[%get3A_9, %get3A_10] : memref<320x128xf32, #tpu.memory_space<vmem>>, vector<320x128xf32>
    %add3A_12 = arith.addf %add3A, %get3A_11 : vector<320x128xf32>
    %get3A_13 = arith.constant 0 : index
    %get3A_14 = arith.constant 0 : index
    %get3A_15 = vector.load %arg2[%get3A_13, %get3A_14] : memref<1x128xf32, #tpu.memory_space<vmem>>, vector<1x128xf32>
    %add3A_16 = vector.broadcast %get3A_15 : vector<1x128xf32> to vector<320x128xf32>
    %add3A_17 = arith.addf %add3A_12, %add3A_16 : vector<320x128xf32>
    %tanh3A = math.tanh %add3A_17 : vector<320x128xf32>
    %swap3A = arith.constant 0 : index
    %swap3A_18 = arith.constant 0 : index
    %swap3A_19 = vector.load %arg3[%swap3A, %swap3A_18] : memref<320x128xf32, #tpu.memory_space<vmem>>, vector<320x128xf32>
    tpu.vector_store %arg3[%swap3A, %swap3A_18], %tanh3A {strides = array<i32>} : memref<320x128xf32, #tpu.memory_space<vmem>>, vector<320x128xf32>,
    return
  }
}

</mosaic_0001>

<sc_bundles>
// kernel: kernel.12.cloned.1.call-start
scs
__scs_entry_jumppad:
0x0: {  	(pc) =	sbr.rel $0x88, $3  }
0x1: {  	(tag) =	ssettag $0x0;
	lr =	simm.s32 $0x1  }
0x2: {  	[smem:$0x3F96] =	sst lr;
	_ =	strace $0xD0000000  }
0x3: {  	_ = 	snop  }
0x4: {  	_ = 	snop  }
0x5: {  	_ = 	snop  }
0x6: {  	_ = 	snop  }
0x7: {  	_ = 	snop  }
__scs_overlays_trampoline_lowered:
0x8: {  	[smem:$0x3FA5] =	sst s0  }
0x9: {  	[smem:$0x3FA6] =	sst s1  }
0xa: {  	[smem:$0x3FA7] =	sst s2  }
0xb: {  	[smem:$0x3FA8] =	sst s3  }
0xc: {  	[smem:$0x3FA9] =	sst s4  }
0xd: {  	[smem:$0x3FAA] =	sst s5  }
0xe: {  	[smem:$0x3FAB] =	sst s6  }
0xf: {  	[smem:$0x3FAC] =	sst s7  }
0x10: {  	[smem:$0x3FAD] =	sst s8  }
0x11: {  	[smem:$0x3FAE] =	sst s9;
	s0 =	simm.s32 @!p0 $0x0  }
0x12: {  	s1 =	sld [smem:$0x3F94];
	s0 =	simm.s32 @p0 $0x1  }
0x13: {  	[smem:$0x3FAF] =	sst s0;
	s0 =	simm.s32 @!p1 $0x0  }
0x14: {  	s2 =	sld [smem:$0x3F93];
	s0 =	simm.s32 @p1 $0x1  }
0x15: {  	[smem:$0x3FB0] =	sst s0;
	s0 =	simm.s32 @!p2 $0x0  }
0x16: {  	s3 =	sld [smem:$0x3FDB];
	s0 =	simm.s32 @p2 $0x1  }
0x17: {  	s4 =	simm.s32 $0x1BF5;
	[smem:$0x3FB2] =	sst s0  }
0x18: {  	s0 =	sld [smem:$0x3F95];
	_ =	swait.ge [sflag:s4], $0x0  }
0x19: {  	s7 =	sld [smem:$0x3F96]  }
0x1a: {  	s8 =	sadd.s32 $0xFFFFE003, lr  }
0x1b: {  	s9 =	sadd.s32 $0xFFFFFEF7, lr;
	s5 =	simm.s32 $0xFFFFFFFF;
	p2 =	slt.u32 s8, $0xFFFFF086  }
0x1c: {  	p1 =	slt.u32 s9, $0xF7A;
	s5 =	simm.s32 @!p2 $0x0  }
0x1d: {  	s5 =	simm.s32 @p1 $0x1;
	p0 =	seq.s32 s7, s2  }
0x1e: {  	s7 =	smul.u32 @!p0 $0xF7A, s2;
	p2 =	seq.s32 @!p0 s5, $0x0  }
0x1f: {  	s9 =	smul.u32 $0xF7A, s1;
	s8 =	simm.s32 @!p0 $0x1BF5;
	p2 =	por !p2, p0  }
0x20: {  	[sflag:s8] =	ssyncset.s32 @!p0 $0xFFFFF086;
	s6 =	sadd.s32 @!p0 s3, s7;
	s7 =	simm.s32 @!p0 $0x108  }
0x21: {  	s3 =	sadd.s32 s3, s9;
	s6 =	sadd.s32 @!p0 $0x88, s6;
	s7 =	simm.s32 @p2 $0x1082  }
0x22: {  	[simem:s7], [sflag:s8] =	dma.local @!p0 [hbm:s6], $0xF7A  }
0x23: {  	s9 =	sor.u32 $0xD0000000, s2;
	s6 =	simm.s32 $0x108;
	_ =	swait.ge @!p0 [sflag:s8], $0x0  }
0x24: {  	s3 =	sadd.s32 $0x88, s3;
	s6 =	simm.s32 @!p1 $0x1082;
	[sflag:s4] =	ssyncset.s32 $0xFFFFF086  }
0x25: {  	[simem:s6], [sflag:s4] =	dma.local [hbm:s3], $0xF7A  }
0x26: {  	[smem:$0x3F96] =	sst s1;
	(tag) =	ssettag s2;
	_ =	strace s9  }
0x27: {  	s1 =	sld [smem:$0x3FA6]  }
0x28: {  	s2 =	sld [smem:$0x3FA7]  }
0x29: {  	s4 =	sld [smem:$0x3FA9]  }
0x2a: {  	p0 =	seq.s32 s5, $0x0;
	s5 =	sld [smem:$0x3FAA]  }
0x2b: {  	s6 =	sld [smem:$0x3FAB]  }
0x2c: {  	s7 =	sld [smem:$0x3FAC]  }
0x2d: {  	s3 =	simm.s32 $0x108;
	s8 =	sld [smem:$0x3FAD]  }
0x2e: {  	s3 =	simm.s32 @!p0 $0x1082;
	s9 =	sld [smem:$0x3FAE]  }
0x2f: {  	lr =	sadd.s32 s0, s3;
	s0 =	sld [smem:$0x3FA5]  }
0x30: {  	s3 =	sld [smem:$0x3FA8]  }
0x31: {  	[smem:$0x3FB1] =	sst s10  }
0x32: {  	s10 =	sld [smem:$0x3FAF];
	_ =	sdelay $0x3  }
0x33: {  	p0 =	seq.s32 s10, $0x1;
	s10 =	sld [smem:$0x3FB1];
	_ =	sdelay $0x3  }
0x34: {  	[smem:$0x3FB1] =	sst s10  }
0x35: {  	s10 =	sld [smem:$0x3FB0];
	_ =	sdelay $0x3  }
0x36: {  	p1 =	seq.s32 s10, $0x1;
	s10 =	sld [smem:$0x3FB1];
	_ =	sdelay $0x3  }
0x37: {  	[smem:$0x3FB1] =	sst s10  }
0x38: {  	s10 =	sld [smem:$0x3FB2]  }
0x39: {  	_ = 	snop;
	(pc) =	sbr.ind lr, $3  }
0x3a: {  	_ = 	snop  }
0x3b: {  	_ = 	snop  }
0x3c: {  	p2 =	seq.s32 s10, $0x1;
	s10 =	sld [smem:$0x3FB1]  }
0x3d: {  	_ =	shalt  }
0x3e: {  	_ =	shalt  }
0x3f: {  	_ =	shalt  }
0x40: {  	_ =	shalt  }
0x41: {  	_ =	shalt  }
0x42: {  	_ =	shalt  }
0x43: {  	_ =	shalt  }
0x44: {  	_ =	shalt  }
0x45: {  	_ =	shalt  }
0x46: {  	_ =	shalt  }
0x47: {  	_ =	shalt  }
0x48: {  	_ =	shalt  }
0x49: {  	_ =	shalt  }
0x4a: {  	_ =	shalt  }
0x4b: {  	_ =	shalt  }
0x4c: {  	_ =	shalt  }
0x4d: {  	_ =	shalt  }
0x4e: {  	_ =	shalt  }
0x4f: {  	_ =	shalt  }
0x50: {  	_ =	shalt  }
0x51: {  	_ =	shalt  }
0x52: {  	_ =	shalt  }
0x53: {  	_ =	shalt  }
0x54: {  	_ =	shalt  }
0x55: {  	_ =	shalt  }
0x56: {  	_ =	shalt  }
0x57: {  	_ =	shalt  }
0x58: {  	_ =	shalt  }
0x59: {  	_ =	shalt  }
0x5a: {  	_ =	shalt  }
0x5b: {  	_ =	shalt  }
0x5c: {  	_ =	shalt  }
0x5d: {  	_ =	shalt  }
0x5e: {  	_ =	shalt  }
0x5f: {  	_ =	shalt  }
0x60: {  	_ =	shalt  }
0x61: {  	_ =	shalt  }
0x62: {  	_ =	shalt  }
0x63: {  	_ =	shalt  }
0x64: {  	_ =	shalt  }
0x65: {  	_ =	shalt  }
0x66: {  	_ =	shalt  }
0x67: {  	_ =	shalt  }
0x68: {  	_ =	shalt  }
0x69: {  	_ =	shalt  }
0x6a: {  	_ =	shalt  }
0x6b: {  	_ =	shalt  }
0x6c: {  	_ =	shalt  }
0x6d: {  	_ =	shalt  }
0x6e: {  	_ =	shalt  }
0x6f: {  	_ =	shalt  }
0x70: {  	_ =	shalt  }
0x71: {  	_ =	shalt  }
0x72: {  	_ =	shalt  }
0x73: {  	_ =	shalt  }
0x74: {  	_ =	shalt  }
0x75: {  	_ =	shalt  }
0x76: {  	_ =	shalt  }
0x77: {  	_ =	shalt  }
0x78: {  	_ =	shalt  }
0x79: {  	_ =	shalt  }
0x7a: {  	_ =	shalt  }
0x7b: {  	_ =	shalt  }
0x7c: {  	_ =	shalt  }
0x7d: {  	_ =	shalt  }
0x7e: {  	_ =	shalt  }
0x7f: {  	_ =	shalt  }
0x80: {  	_ =	shalt  }
0x81: {  	_ =	shalt  }
0x82: {  	_ =	shalt  }
0x83: {  	_ =	shalt  }
0x84: {  	_ =	shalt  }
0x85: {  	_ =	shalt  }
0x86: {  	_ =	shalt  }
0x87: {  	_ =	shalt  }
.Lfunc_end0:
.L_simem_size_0:
called_computation.1_lowered:
.L_overlay_start_0:
0x88: {  	s2 =	sld [smem:$0x3FD9]  }
0x89: {  	s3 =	sld [smem:$0x3FFE];
	_ =	sdelay $0x1  }
0x8a: {  	s1 =	srdreg.scid  }
0x8b: {  	s0 =	sand.u32 $0x1, s1  }
0x8c: {  	s16 =	sshll.u32 s0, $0xA;
	s2 =	sadd.s32 s3, s2  }
0x8d: {  	s2 =	sadd.s32 s2, s16  }
0x8e: {  	[smem:$0x3FBD] =	sst s2  }
0x8f: {  	_ = 	snop  }
0x90: {  	(tm) =	ssettm $0x1  }
0x91: {  	s17 =	sld [smem:$0x3FFB];
	_ =	sdelay $0x3  }
0x92: {  	_ =	strace s17  }
0x93: {  	s2 =	sld [smem:$0x3FFC];
	_ =	sdelay $0x3  }
0x94: {  	_ =	strace s2  }
0x95: {  	s2 =	sld [smem:$0x3FFD];
	_ =	sdelay $0x3  }
0x96: {  	_ =	strace s2  }
0x97: {  	_ =	strace $0x8FFFFFFF  }
0x98: {  	s18 =	sld [smem:$0x3FDB];
	_ =	sdelay $0x1  }
0x99: {  	s19 =	simm.s32 $_scs_section_size  }
0x9a: {  	s4 =	simm.s32 $_size__tile_overlayer_lowered;
	s5 =	simm.s32 $_tile_overlayer_lowered  }
0x9b: {  	s22 =	simm.s32 $0x1BFF;
	s21 =	sshll.u32 s5, $0x1;
	s2 =	sadd.s32 s19, s18  }
0x9c: {  	s6 =	simm.s32 $0x0;
	s20 =	sshll.u32 s4, $0x1;
	s4 =	sadd.s32 s21, s2  }
0x9d: {  	[timem:s6], [sflag:s22] =	dma.local [hbm:s4], s20  }
0x9e: {  	_ =	swait.ge [sflag:s22], s20  }
0x9f: {  	s3 =	ssub.s32 $0x0, s20;
	[sflag:s22] =	ssyncset.done $0x0  }
0xa0: {  	[sflag:s22] =	ssyncadd.s32 s3;
	_ =	sdelay $0x1  }
0xa1: {  	s23 =	simm.s32 $0x1B8B  }
0xa2: {  	_ =	swait.ge [sflag:s23], $0x1  }
0xa3: {  	[sflag:s23] =	ssyncset.done $0x0  }
0xa4: {  	s25 =	simm.s32 $0x1B8E;
	s24 =	sld [smem:$0x3FFE];
	[sflag:s23] =	ssyncadd.s32 $0xFFFFFFFF  }
0xa5: {  	s26 =	simm.s32 $execute0_lowered;
	[smem:$0x3FD2] =	sst s25  }
0xa6: {  	s4 =	sshll.u32 s26, $0x1;
	_ =	strace $0x80000049;
	[dreg:$0x1] =	wrdreg $0xFFFFFFFF  }
0xa7: {  	s28 =	simm.s32 $_size_execute0_lowered;
	s2 =	sadd.s32 s2, s4;
	[dreg:$0x0] =	wrdreg $0x0  }
0xa8: {  	s4 =	sshll.u32 s28, $0x1;
	[dreg:$0x2] =	wrdreg s2  }
0xa9: {  	[dreg:$0x3] =	wrdreg s4  }
0xaa: {  	[dreg:$0x4] =	wrdreg $0xC0  }
0xab: {  	_ =	task [dreg:s6], $0x5FFFF  }
0xac: {  	[dreg:$0x1] =	wrdreg $0xFFFFFFFF  }
0xad: {  	[dreg:$0x0] =	wrdreg $0x60  }
0xae: {  	[dreg:$0x2] =	wrdreg s24  }
0xaf: {  	[dreg:$0x3] =	wrdreg $0x0  }
0xb0: {  	[dreg:$0x4] =	wrdreg $0xA000  }
0xb1: {  	[dreg:$0x5] =	wrdreg $0x9  }
0xb2: {  	_ =	task.clear_ibuf [dreg:s6], $0x6FFFF;
	_ =	strace $0x90000049  }
0xb3: {  	s29 =	simm.s32 $0x9;
	_ =	strace $0x8000004B  }
0xb4: {  	_ =	swait.ge [sflag:s29], $0x1  }
0xb5: {  	[sflag:s29] =	ssyncadd.s32 $0xFFFFFFFF  }
0xb6: {  	_ =	strace $0x9000004B  }
0xb7: {  	_ =	sfence  }
0xb8: {  	s30 =	sld [smem:$0x0];
	_ =	sdelay $0x2  }
0xb9: {  	s31 =	sshll.u32 s1, $0xD;
	s1 =	sshrl.u32 s1, $0x2  }
0xba: {  	s3 =	sand.u32 $0x4000, s31;
	s1 =	sadd.s32 s1, s30  }
0xbb: {  	s0 =	sor.u32 s3, s0;
	s1 =	sshll.u32 s1, $0x11  }
0xbc: {  	s0 =	sor.u32 s1, s0  }
0xbd: {  	s0 =	sadd.s32 $0x8F2B, s0  }
0xbe: {  	[sflag:s0] =	ssyncadd.remote.s32 $0x1  }
0xbf: {  	_ =	sfence.sel $0xFFFF  }
0xc0: {  	[dreg:$0x0] =	wrdreg $0xFFFFFFFF;
	(pc) =	sbr.abs _section_cstart, $3  }
0xc1: {  	[dreg:$0x1] =	wrdreg $0xFFFFFFFF  }
0xc2: {  	_ =	task.clear_ibuf [dreg:s6], $0x2FFFF;
	_ =	strace $0x9FFFFFFF  }
0xc3: {  	(tm) =	ssettm $0x7FFFFFFF  }
tec
execute0_lowered:
.L_overlay_start_1:
0x0: {  	(tag) =	ssettag $0x1  }
0x1: {  	s18 =	rddreg [dreg:$0x0]  }
0x2: {  	s2 =	rddreg [dreg:$0x1]  }
0x3: {  	s3 =	rddreg [dreg:$0x2];
	s0 =	stileid.u32  }
0x4: {  	s5 =	srdreg.scid;
	s1 =	rddreg [dreg:$0x3]  }
0x5: {  	s4 =	simm.s32 $0x0;
	s9 =	smul.u32 $0xA00, s0;
	s19 =	sand.u32 $0x1, s5  }
0x6: {  	[smem:$0x7FF] =	sst s4;
	s11 =	smul.u32 $0xA000, s0;
	s6 =	sshll.u32 s0, $0x6  }
0x7: {  	s10 =	smul.u32 $0xA0000, s19;
	_ =	strace $0x8000004A;
	s29 =	sshrl.u32 s9, $0x3  }
0x8: {  	s6 =	sor.u32 $0x1C02, s6;
	s7 =	sadd.s32 s9, s2;
	s12 =	sadd.s32 s29, s18  }
0x9: {  	s8 =	sshrl.u32 s7, $0x3;
	s7 =	simm.s32 $0x2;
	s5 =	sadd.s32 $0x2AA00, s12  }
0xa: {  	[spmem:s8], [sflag:s6] =	dma.local [hbm:s5], $0x140  }
0xb: {  	_ =	swait.ge [sflag:s7], $0x140  }
0xc: {  	s30 =	sadd.s32 s9, s3;
	s11 =	sadd.s32 s11, s10;
	[sflag:s7] =	ssyncset.done $0x0  }
0xd: {  	s10 =	sshrl.u32 s30, $0x3;
	s9 =	sadd.s32 $0x2BE00, s12;
	[sflag:s7] =	ssyncadd.s32 $0xFFFFFEC0  }
0xe: {  	[spmem:s10], [sflag:s6] =	dma.local [hbm:s9], $0x140  }
0xf: {  	s11 =	sshrl.u32 s11, $0x3;
	_ =	swait.ge [sflag:s7], $0x140  }
0x10: {  	s13 =	sadd.s32 s11, s18;
	[sflag:s7] =	ssyncset.done $0x0  }
0x11: {  	s12 =	simm.s32 $0x1400;
	s11 =	sadd.s32 $0x2A00, s13;
	[sflag:s7] =	ssyncadd.s32 $0xFFFFFEC0  }
0x12: {  	[tilespmem:s12], [sflag:$0x2] =	stream.linear.gather [hbm4b:s11+s4], $0x5000, $0x38;
	[tilespmem:$0x10400] =	vst v63  }
0x13: {  	_ =	swait.ge [sflag:s7], $0x5000  }
0x14: {  	[sflag:s7] =	ssyncset.done $0x0  }
0x15: {  	s14 =	simm.s32 $0x6400;
	s13 =	sadd.s32 $0x3400, s13;
	[sflag:s7] =	ssyncadd.s32 $0xFFFFB000  }
0x16: {  	[tilespmem:s14], [sflag:$0x2] =	stream.linear.gather [hbm4b:s13+s4], $0x5000, $0x38;
	[tilespmem:$0x10400] =	vst v63  }
0x17: {  	_ =	swait.ge [sflag:s7], $0x5000  }
0x18: {  	[sflag:s7] =	ssyncset.done $0x0  }
0x19: {  	s15 =	simm.s32 $0x5000;
	[sflag:s7] =	ssyncadd.s32 $0xFFFFB000  }
0x1a: {  	s16 =	simm.s32 $0xB400;
	s17 =	simm.s32 $0x1;
	[bflag:$0x0] =	sbarrier.arrive $0xFFFF  }
0x1b: {  	[tilespmem:s16], [sflag:$0x1] =	stream.indirect.gather [spmem:s2], $0x1, s12, s15, $0xb8;
	[tilespmem:$0x10400] =	vst v63  }
0x1c: {  	s20 =	sshll.u32 s19, $0x4;
	s19 =	ssub.s32 $0x2, s19;
	_ =	swait.ge [sflag:s17], $0x5000  }
0x1d: {  	s31 =	sshrl.u32 s19, $0x1;
	[sflag:s17] =	ssyncset.done $0x0  }
0x1e: {  	s21 =	smul.u32 $0x280, s0;
	s19 =	ssub.s32 s19, s31;
	[sflag:s17] =	ssyncadd.s32 $0xFFFFB000  }
0x1f: {  	[spmem:s3] =	stream.indirect.scatter.add.f32 [tilespmem:s16], [sflag:$0x2], $0x1, s14, s15, $0xb8;
	[tilespmem:$0x10400] =	vst v63  }
0x20: {  	s22 =	smax.u32 s19, $0x1;
	s19 =	simm.s32 $0x20;
	_ =	swait.ge [sflag:s7], $0x5000  }
0x21: {  	s18 =	sadd.s32 s20, s18;
	p0 =	sne.s32 s22, $0x1;
	[sflag:s7] =	ssyncset.done $0x0  }
.Ltmp0:
0x22: {  	s18 =	sadd.s32 $0x2D200, s18;
	[sflag:s7] =	ssyncadd.s32 $0xFFFFB000;
	(pc) =	sbr.rel @!p0 .LBB2_2-.Ltmp0, $4  }
0x23: {  	s20 =	simm.s32 $0x10;
	s18 =	sadd.s32 s21, s18;
	[bflag:$0x0] =	sbarrier.arrive $0xFFFF  }
0x24: {  	[hbm:s18@s19], [sflag:s6] =	dma.strided [spmem:s10@s20], $0x140, s17, $0x10   }
0x25: {  	_ =	swait.ge [sflag:s7], $0x140  }
0x26: {  	s21 =	sadd.s32 $0xFFFFFFFF, s22;
	[sflag:s7] =	ssyncset.done $0x0  }
.LBB2_1:
0x27: {  	p0 =	sne.s32 s21, $0x1;
	s21 =	sadd.s32 $0xFFFFFFFF, s21;
	[sflag:s7] =	ssyncadd.s32 $0xFFFFFEC0  }
0x28: {  	[spmem:s8], [sflag:s6] =	dma.local [hbm:s5], $0x140  }
0x29: {  	_ =	swait.ge [sflag:s7], $0x140  }
0x2a: {  	[sflag:s7] =	ssyncset.done $0x0  }
0x2b: {  	[sflag:s7] =	ssyncadd.s32 $0xFFFFFEC0  }
0x2c: {  	[spmem:s10], [sflag:s6] =	dma.local [hbm:s9], $0x140  }
0x2d: {  	_ =	swait.ge [sflag:s7], $0x140  }
0x2e: {  	[sflag:s7] =	ssyncset.done $0x0  }
0x2f: {  	[sflag:s7] =	ssyncadd.s32 $0xFFFFFEC0  }
0x30: {  	[tilespmem:s12], [sflag:$0x2] =	stream.linear.gather [hbm4b:s11+s4], $0x5000, $0x38;
	[tilespmem:$0x10400] =	vst v63  }
0x31: {  	_ =	swait.ge [sflag:s7], $0x5000  }
0x32: {  	[sflag:s7] =	ssyncset.done $0x0  }
0x33: {  	[sflag:s7] =	ssyncadd.s32 $0xFFFFB000  }
0x34: {  	[tilespmem:s14], [sflag:$0x2] =	stream.linear.gather [hbm4b:s13+s4], $0x5000, $0x38;
	[tilespmem:$0x10400] =	vst v63  }
0x35: {  	_ =	swait.ge [sflag:s7], $0x5000  }
0x36: {  	[sflag:s7] =	ssyncset.done $0x0  }
0x37: {  	[sflag:s7] =	ssyncadd.s32 $0xFFFFB000  }
0x38: {  	[bflag:$0x0] =	sbarrier.arrive $0xFFFF  }
0x39: {  	[tilespmem:s16], [sflag:$0x1] =	stream.indirect.gather [spmem:s2], $0x1, s12, s15, $0xb8;
	[tilespmem:$0x10400] =	vst v63  }
0x3a: {  	_ =	swait.ge [sflag:s17], $0x5000  }
0x3b: {  	[sflag:s17] =	ssyncset.done $0x0  }
0x3c: {  	[sflag:s17] =	ssyncadd.s32 $0xFFFFB000  }
0x3d: {  	[spmem:s3] =	stream.indirect.scatter.add.f32 [tilespmem:s16], [sflag:$0x2], $0x1, s14, s15, $0xb8;
	[tilespmem:$0x10400] =	vst v63  }
0x3e: {  	_ =	swait.ge [sflag:s7], $0x5000  }
0x3f: {  	[sflag:s7] =	ssyncset.done $0x0  }
.Ltmp1:
0x40: {  	[sflag:s7] =	ssyncadd.s32 $0xFFFFB000;
	(pc) =	sbr.rel @p0 .LBB2_1-.Ltmp1, $4  }
0x41: {  	[bflag:$0x0] =	sbarrier.arrive $0xFFFF  }
0x42: {  	[hbm:s18@s19], [sflag:s6] =	dma.strided [spmem:s10@s20], $0x140, s17, $0x10   }
0x43: {  	_ =	swait.ge [sflag:s7], $0x140  }
0x44: {  	[sflag:s7] =	ssyncset.done $0x0  }
.LBB2_2:
0x45: {  	[sflag:s7] =	ssyncadd.s32 $0xFFFFFEC0  }
0x46: {  	_ =	sfence.sel $0x180000  }
0x47: {  	[bflag:$0x0] =	sbarrier.arrive $0xFFFF  }
0x48: {  	p0 =	sne.s32 s0, $0x0;
	_ =	strace $0x9000004A  }
0x49: {  	s0 =	sadd.s32 @!p0 $0x100000, s1;
	[bflag:$0x2] =	sbarrier.arrive $0xFFFF  }
0x4a: {  	[sflag:s0] =	ssyncadd.tile.s32 @!p0 $0x1;
	_ =	shalt  }
.Lfunc_end2:
_tile_overlayer_lowered:
.L_overlay_start_2:
0x4b: {  	(tag) =	ssettag $0x2  }
0x4c: {  	s0 =	rddreg [dreg:$0x0];
	s2 =	stileid.u32  }
0x4d: {  	s1 =	rddreg [dreg:$0x1];
	p0 =	sne.s32 s2, $0x0  }
0x4e: {  	s3 =	rddreg [dreg:$0x2];
	[bflag:$0x3] =	sbarrier.arrive $0xFFFF;
	s2 =	simm.s32 @!p0 $0x1C02  }
0x4f: {  	[timem:s3], [sflag:s2] =	dma.local @!p0 [hbm:s0], s1  }
0x50: {  	s0 =	simm.s32 @!p0 $0x2  }
0x51: {  	_ =	swait.ge @!p0 [sflag:s0], s1  }
0x52: {  	s1 =	ssub.s32 @!p0 $0x0, s1;
	[sflag:s0] =	ssyncset.done @!p0 $0x0  }
0x53: {  	[sflag:s0] =	ssyncadd.s32 @!p0 s1  }
0x54: {  	[bflag:$0x3] =	sbarrier.arrive $0xFFFF  }
0x55: {  	_ =	shalt  }

// kernel: kernel.15.cloned.1.call-start
scs
__scs_entry_jumppad:
0x0: {  	(pc) =	sbr.rel $0x88, $3  }
0x1: {  	(tag) =	ssettag $0x0;
	lr =	simm.s32 $0x1  }
0x2: {  	[smem:$0x3F96] =	sst lr;
	_ =	strace $0xD0000000  }
0x3: {  	_ = 	snop  }
0x4: {  	_ = 	snop  }
0x5: {  	_ = 	snop  }
0x6: {  	_ = 	snop  }
0x7: {  	_ = 	snop  }
__scs_overlays_trampoline_lowered:
0x8: {  	[smem:$0x3FA5] =	sst s0  }
0x9: {  	[smem:$0x3FA6] =	sst s1  }
0xa: {  	[smem:$0x3FA7] =	sst s2  }
0xb: {  	[smem:$0x3FA8] =	sst s3  }
0xc: {  	[smem:$0x3FA9] =	sst s4  }
0xd: {  	[smem:$0x3FAA] =	sst s5  }
0xe: {  	[smem:$0x3FAB] =	sst s6  }
0xf: {  	[smem:$0x3FAC] =	sst s7  }
0x10: {  	[smem:$0x3FAD] =	sst s8  }
0x11: {  	[smem:$0x3FAE] =	sst s9;
	s0 =	simm.s32 @!p0 $0x0  }
0x12: {  	s1 =	sld [smem:$0x3F94];
	s0 =	simm.s32 @p0 $0x1  }
0x13: {  	[smem:$0x3FAF] =	sst s0;
	s0 =	simm.s32 @!p1 $0x0  }
0x14: {  	s2 =	sld [smem:$0x3F93];
	s0 =	simm.s32 @p1 $0x1  }
0x15: {  	[smem:$0x3FB0] =	sst s0;
	s0 =	simm.s32 @!p2 $0x0  }
0x16: {  	s3 =	sld [smem:$0x3FDB];
	s0 =	simm.s32 @p2 $0x1  }
0x17: {  	s4 =	simm.s32 $0x1BF5;
	[smem:$0x3FB2] =	sst s0  }
0x18: {  	s0 =	sld [smem:$0x3F95];
	_ =	swait.ge [sflag:s4], $0x0  }
0x19: {  	s7 =	sld [smem:$0x3F96]  }
0x1a: {  	s8 =	sadd.s32 $0xFFFFE003, lr  }
0x1b: {  	s9 =	sadd.s32 $0xFFFFFEF7, lr;
	s5 =	simm.s32 $0xFFFFFFFF;
	p2 =	slt.u32 s8, $0xFFFFF086  }
0x1c: {  	p1 =	slt.u32 s9, $0xF7A;
	s5 =	simm.s32 @!p2 $0x0  }
0x1d: {  	s5 =	simm.s32 @p1 $0x1;
	p0 =	seq.s32 s7, s2  }
0x1e: {  	s7 =	smul.u32 @!p0 $0xF7A, s2;
	p2 =	seq.s32 @!p0 s5, $0x0  }
0x1f: {  	s9 =	smul.u32 $0xF7A, s1;
	s8 =	simm.s32 @!p0 $0x1BF5;
	p2 =	por !p2, p0  }
0x20: {  	[sflag:s8] =	ssyncset.s32 @!p0 $0xFFFFF086;
	s6 =	sadd.s32 @!p0 s3, s7;
	s7 =	simm.s32 @!p0 $0x108  }
0x21: {  	s3 =	sadd.s32 s3, s9;
	s6 =	sadd.s32 @!p0 $0x88, s6;
	s7 =	simm.s32 @p2 $0x1082  }
0x22: {  	[simem:s7], [sflag:s8] =	dma.local @!p0 [hbm:s6], $0xF7A  }
0x23: {  	s9 =	sor.u32 $0xD0000000, s2;
	s6 =	simm.s32 $0x108;
	_ =	swait.ge @!p0 [sflag:s8], $0x0  }
0x24: {  	s3 =	sadd.s32 $0x88, s3;
	s6 =	simm.s32 @!p1 $0x1082;
	[sflag:s4] =	ssyncset.s32 $0xFFFFF086  }
0x25: {  	[simem:s6], [sflag:s4] =	dma.local [hbm:s3], $0xF7A  }
0x26: {  	[smem:$0x3F96] =	sst s1;
	(tag) =	ssettag s2;
	_ =	strace s9  }
0x27: {  	s1 =	sld [smem:$0x3FA6]  }
0x28: {  	s2 =	sld [smem:$0x3FA7]  }
0x29: {  	s4 =	sld [smem:$0x3FA9]  }
0x2a: {  	p0 =	seq.s32 s5, $0x0;
	s5 =	sld [smem:$0x3FAA]  }
0x2b: {  	s6 =	sld [smem:$0x3FAB]  }
0x2c: {  	s7 =	sld [smem:$0x3FAC]  }
0x2d: {  	s3 =	simm.s32 $0x108;
	s8 =	sld [smem:$0x3FAD]  }
0x2e: {  	s3 =	simm.s32 @!p0 $0x1082;
	s9 =	sld [smem:$0x3FAE]  }
0x2f: {  	lr =	sadd.s32 s0, s3;
	s0 =	sld [smem:$0x3FA5]  }
0x30: {  	s3 =	sld [smem:$0x3FA8]  }
0x31: {  	[smem:$0x3FB1] =	sst s10  }
0x32: {  	s10 =	sld [smem:$0x3FAF];
	_ =	sdelay $0x3  }
0x33: {  	p0 =	seq.s32 s10, $0x1;
	s10 =	sld [smem:$0x3FB1];
	_ =	sdelay $0x3  }
0x34: {  	[smem:$0x3FB1] =	sst s10  }
0x35: {  	s10 =	sld [smem:$0x3FB0];
	_ =	sdelay $0x3  }
0x36: {  	p1 =	seq.s32 s10, $0x1;
	s10 =	sld [smem:$0x3FB1];
	_ =	sdelay $0x3  }
0x37: {  	[smem:$0x3FB1] =	sst s10  }
0x38: {  	s10 =	sld [smem:$0x3FB2]  }
0x39: {  	_ = 	snop;
	(pc) =	sbr.ind lr, $3  }
0x3a: {  	_ = 	snop  }
0x3b: {  	_ = 	snop  }
0x3c: {  	p2 =	seq.s32 s10, $0x1;
	s10 =	sld [smem:$0x3FB1]  }
0x3d: {  	_ =	shalt  }
0x3e: {  	_ =	shalt  }
0x3f: {  	_ =	shalt  }
0x40: {  	_ =	shalt  }
0x41: {  	_ =	shalt  }
0x42: {  	_ =	shalt  }
0x43: {  	_ =	shalt  }
0x44: {  	_ =	shalt  }
0x45: {  	_ =	shalt  }
0x46: {  	_ =	shalt  }
0x47: {  	_ =	shalt  }
0x48: {  	_ =	shalt  }
0x49: {  	_ =	shalt  }
0x4a: {  	_ =	shalt  }
0x4b: {  	_ =	shalt  }
0x4c: {  	_ =	shalt  }
0x4d: {  	_ =	shalt  }
0x4e: {  	_ =	shalt  }
0x4f: {  	_ =	shalt  }
0x50: {  	_ =	shalt  }
0x51: {  	_ =	shalt  }
0x52: {  	_ =	shalt  }
0x53: {  	_ =	shalt  }
0x54: {  	_ =	shalt  }
0x55: {  	_ =	shalt  }
0x56: {  	_ =	shalt  }
0x57: {  	_ =	shalt  }
0x58: {  	_ =	shalt  }
0x59: {  	_ =	shalt  }
0x5a: {  	_ =	shalt  }
0x5b: {  	_ =	shalt  }
0x5c: {  	_ =	shalt  }
0x5d: {  	_ =	shalt  }
0x5e: {  	_ =	shalt  }
0x5f: {  	_ =	shalt  }
0x60: {  	_ =	shalt  }
0x61: {  	_ =	shalt  }
0x62: {  	_ =	shalt  }
0x63: {  	_ =	shalt  }
0x64: {  	_ =	shalt  }
0x65: {  	_ =	shalt  }
0x66: {  	_ =	shalt  }
0x67: {  	_ =	shalt  }
0x68: {  	_ =	shalt  }
0x69: {  	_ =	shalt  }
0x6a: {  	_ =	shalt  }
0x6b: {  	_ =	shalt  }
0x6c: {  	_ =	shalt  }
0x6d: {  	_ =	shalt  }
0x6e: {  	_ =	shalt  }
0x6f: {  	_ =	shalt  }
0x70: {  	_ =	shalt  }
0x71: {  	_ =	shalt  }
0x72: {  	_ =	shalt  }
0x73: {  	_ =	shalt  }
0x74: {  	_ =	shalt  }
0x75: {  	_ =	shalt  }
0x76: {  	_ =	shalt  }
0x77: {  	_ =	shalt  }
0x78: {  	_ =	shalt  }
0x79: {  	_ =	shalt  }
0x7a: {  	_ =	shalt  }
0x7b: {  	_ =	shalt  }
0x7c: {  	_ =	shalt  }
0x7d: {  	_ =	shalt  }
0x7e: {  	_ =	shalt  }
0x7f: {  	_ =	shalt  }
0x80: {  	_ =	shalt  }
0x81: {  	_ =	shalt  }
0x82: {  	_ =	shalt  }
0x83: {  	_ =	shalt  }
0x84: {  	_ =	shalt  }
0x85: {  	_ =	shalt  }
0x86: {  	_ =	shalt  }
0x87: {  	_ =	shalt  }
.Lfunc_end0:
.L_simem_size_0:
called_computation.2_lowered:
.L_overlay_start_0:
0x88: {  	s2 =	sld [smem:$0x3FD9]  }
0x89: {  	s3 =	sld [smem:$0x3FFE];
	_ =	sdelay $0x1  }
0x8a: {  	s1 =	srdreg.scid  }
0x8b: {  	s0 =	sand.u32 $0x1, s1  }
0x8c: {  	s16 =	sshll.u32 s0, $0xA;
	s2 =	sadd.s32 s3, s2  }
0x8d: {  	s2 =	sadd.s32 s2, s16  }
0x8e: {  	[smem:$0x3FBD] =	sst s2  }
0x8f: {  	_ = 	snop  }
0x90: {  	(tm) =	ssettm $0x1  }
0x91: {  	s17 =	sld [smem:$0x3FFB];
	_ =	sdelay $0x3  }
0x92: {  	_ =	strace s17  }
0x93: {  	s2 =	sld [smem:$0x3FFC];
	_ =	sdelay $0x3  }
0x94: {  	_ =	strace s2  }
0x95: {  	s2 =	sld [smem:$0x3FFD];
	_ =	sdelay $0x3  }
0x96: {  	_ =	strace s2  }
0x97: {  	_ =	strace $0x8FFFFFFF  }
0x98: {  	s18 =	sld [smem:$0x3FDB];
	_ =	sdelay $0x1  }
0x99: {  	s19 =	simm.s32 $_scs_section_size  }
0x9a: {  	s4 =	simm.s32 $_size__tile_overlayer_lowered;
	s5 =	simm.s32 $_tile_overlayer_lowered  }
0x9b: {  	s22 =	simm.s32 $0x1BFF;
	s21 =	sshll.u32 s5, $0x1;
	s2 =	sadd.s32 s19, s18  }
0x9c: {  	s6 =	simm.s32 $0x0;
	s20 =	sshll.u32 s4, $0x1;
	s4 =	sadd.s32 s21, s2  }
0x9d: {  	[timem:s6], [sflag:s22] =	dma.local [hbm:s4], s20  }
0x9e: {  	_ =	swait.ge [sflag:s22], s20  }
0x9f: {  	s3 =	ssub.s32 $0x0, s20;
	[sflag:s22] =	ssyncset.done $0x0  }
0xa0: {  	[sflag:s22] =	ssyncadd.s32 s3;
	_ =	sdelay $0x1  }
0xa1: {  	s23 =	simm.s32 $0x1B8B  }
0xa2: {  	_ =	swait.ge [sflag:s23], $0x1  }
0xa3: {  	[sflag:s23] =	ssyncset.done $0x0  }
0xa4: {  	s25 =	simm.s32 $0x1B8E;
	s24 =	sld [smem:$0x3FFE];
	[sflag:s23] =	ssyncadd.s32 $0xFFFFFFFF  }
0xa5: {  	s26 =	simm.s32 $execute0_lowered;
	[smem:$0x3FD2] =	sst s25  }
0xa6: {  	s4 =	sshll.u32 s26, $0x1;
	_ =	strace $0x8000004C;
	[dreg:$0x1] =	wrdreg $0xFFFFFFFF  }
0xa7: {  	s28 =	simm.s32 $_size_execute0_lowered;
	s2 =	sadd.s32 s2, s4;
	[dreg:$0x0] =	wrdreg $0x0  }
0xa8: {  	s4 =	sshll.u32 s28, $0x1;
	[dreg:$0x2] =	wrdreg s2  }
0xa9: {  	[dreg:$0x3] =	wrdreg s4  }
0xaa: {  	[dreg:$0x4] =	wrdreg $0xC0  }
0xab: {  	_ =	task [dreg:s6], $0x5FFFF  }
0xac: {  	[dreg:$0x1] =	wrdreg $0xFFFFFFFF  }
0xad: {  	[dreg:$0x0] =	wrdreg $0x60  }
0xae: {  	[dreg:$0x2] =	wrdreg s24  }
0xaf: {  	[dreg:$0x3] =	wrdreg $0x0  }
0xb0: {  	[dreg:$0x4] =	wrdreg $0xA000  }
0xb1: {  	[dreg:$0x5] =	wrdreg $0x9  }
0xb2: {  	_ =	task.clear_ibuf [dreg:s6], $0x6FFFF;
	_ =	strace $0x9000004C  }
0xb3: {  	s29 =	simm.s32 $0x9;
	_ =	strace $0x8000004E  }
0xb4: {  	_ =	swait.ge [sflag:s29], $0x1  }
0xb5: {  	[sflag:s29] =	ssyncadd.s32 $0xFFFFFFFF  }
0xb6: {  	_ =	strace $0x9000004E  }
0xb7: {  	_ =	sfence  }
0xb8: {  	s30 =	sld [smem:$0x0];
	_ =	sdelay $0x2  }
0xb9: {  	s31 =	sshll.u32 s1, $0xD;
	s1 =	sshrl.u32 s1, $0x2  }
0xba: {  	s3 =	sand.u32 $0x4000, s31;
	s1 =	sadd.s32 s1, s30  }
0xbb: {  	s0 =	sor.u32 s3, s0;
	s1 =	sshll.u32 s1, $0x11  }
0xbc: {  	s0 =	sor.u32 s1, s0  }
0xbd: {  	s0 =	sadd.s32 $0x8F2B, s0  }
0xbe: {  	[sflag:s0] =	ssyncadd.remote.s32 $0x1  }
0xbf: {  	_ =	sfence.sel $0xFFFF  }
0xc0: {  	[dreg:$0x0] =	wrdreg $0xFFFFFFFF;
	(pc) =	sbr.abs _section_cstart, $3  }
0xc1: {  	[dreg:$0x1] =	wrdreg $0xFFFFFFFF  }
0xc2: {  	_ =	task.clear_ibuf [dreg:s6], $0x2FFFF;
	_ =	strace $0x9FFFFFFF  }
0xc3: {  	(tm) =	ssettm $0x7FFFFFFF  }
tec
execute0_lowered:
.L_overlay_start_1:
0x0: {  	(tag) =	ssettag $0x1  }
0x1: {  	s18 =	rddreg [dreg:$0x0]  }
0x2: {  	s2 =	rddreg [dreg:$0x1]  }
0x3: {  	s3 =	rddreg [dreg:$0x2];
	s0 =	stileid.u32  }
0x4: {  	s5 =	srdreg.scid;
	s1 =	rddreg [dreg:$0x3]  }
0x5: {  	s4 =	simm.s32 $0x0;
	s9 =	smul.u32 $0xA00, s0;
	s19 =	sand.u32 $0x1, s5  }
0x6: {  	[smem:$0x7FF] =	sst s4;
	s11 =	smul.u32 $0xA000, s0;
	s6 =	sshll.u32 s0, $0x6  }
0x7: {  	s10 =	smul.u32 $0xA0000, s19;
	_ =	strace $0x8000004D;
	s29 =	sshrl.u32 s9, $0x3  }
0x8: {  	s6 =	sor.u32 $0x1C02, s6;
	s7 =	sadd.s32 s9, s2;
	s12 =	sadd.s32 s29, s18  }
0x9: {  	s8 =	sshrl.u32 s7, $0x3;
	s7 =	simm.s32 $0x2;
	s5 =	sadd.s32 $0x2AA00, s12  }
0xa: {  	[spmem:s8], [sflag:s6] =	dma.local [hbm:s5], $0x140  }
0xb: {  	_ =	swait.ge [sflag:s7], $0x140  }
0xc: {  	s30 =	sadd.s32 s9, s3;
	s11 =	sadd.s32 s11, s10;
	[sflag:s7] =	ssyncset.done $0x0  }
0xd: {  	s10 =	sshrl.u32 s30, $0x3;
	s9 =	sadd.s32 $0x2BE00, s12;
	[sflag:s7] =	ssyncadd.s32 $0xFFFFFEC0  }
0xe: {  	[spmem:s10], [sflag:s6] =	dma.local [hbm:s9], $0x140  }
0xf: {  	s11 =	sshrl.u32 s11, $0x3;
	_ =	swait.ge [sflag:s7], $0x140  }
0x10: {  	s13 =	sadd.s32 s11, s18;
	[sflag:s7] =	ssyncset.done $0x0  }
0x11: {  	s12 =	simm.s32 $0x1400;
	s11 =	sadd.s32 $0x2A00, s13;
	[sflag:s7] =	ssyncadd.s32 $0xFFFFFEC0  }
0x12: {  	[tilespmem:s12], [sflag:$0x2] =	stream.linear.gather [hbm4b:s11+s4], $0x5000, $0x38;
	[tilespmem:$0x10400] =	vst v63  }
0x13: {  	_ =	swait.ge [sflag:s7], $0x5000  }
0x14: {  	[sflag:s7] =	ssyncset.done $0x0  }
0x15: {  	s14 =	simm.s32 $0x6400;
	s13 =	sadd.s32 $0x3400, s13;
	[sflag:s7] =	ssyncadd.s32 $0xFFFFB000  }
0x16: {  	[tilespmem:s14], [sflag:$0x2] =	stream.linear.gather [hbm4b:s13+s4], $0x5000, $0x38;
	[tilespmem:$0x10400] =	vst v63  }
0x17: {  	_ =	swait.ge [sflag:s7], $0x5000  }
0x18: {  	[sflag:s7] =	ssyncset.done $0x0  }
0x19: {  	s15 =	simm.s32 $0x5000;
	[sflag:s7] =	ssyncadd.s32 $0xFFFFB000  }
0x1a: {  	s16 =	simm.s32 $0xB400;
	s17 =	simm.s32 $0x1;
	[bflag:$0x0] =	sbarrier.arrive $0xFFFF  }
0x1b: {  	[tilespmem:s16], [sflag:$0x1] =	stream.indirect.gather [spmem:s2], $0x1, s12, s15, $0xb8;
	[tilespmem:$0x10400] =	vst v63  }
0x1c: {  	s20 =	sshll.u32 s19, $0x4;
	s19 =	ssub.s32 $0x2, s19;
	_ =	swait.ge [sflag:s17], $0x5000  }
0x1d: {  	s31 =	sshrl.u32 s19, $0x1;
	[sflag:s17] =	ssyncset.done $0x0  }
0x1e: {  	s21 =	smul.u32 $0x280, s0;
	s19 =	ssub.s32 s19, s31;
	[sflag:s17] =	ssyncadd.s32 $0xFFFFB000  }
0x1f: {  	[spmem:s3] =	stream.indirect.scatter.add.f32 [tilespmem:s16], [sflag:$0x2], $0x1, s14, s15, $0xb8;
	[tilespmem:$0x10400] =	vst v63  }
0x20: {  	s22 =	smax.u32 s19, $0x1;
	s19 =	simm.s32 $0x20;
	_ =	swait.ge [sflag:s7], $0x5000  }
0x21: {  	s18 =	sadd.s32 s20, s18;
	p0 =	sne.s32 s22, $0x1;
	[sflag:s7] =	ssyncset.done $0x0  }
.Ltmp0:
0x22: {  	s18 =	sadd.s32 $0x2D200, s18;
	[sflag:s7] =	ssyncadd.s32 $0xFFFFB000;
	(pc) =	sbr.rel @!p0 .LBB2_2-.Ltmp0, $4  }
0x23: {  	s20 =	simm.s32 $0x10;
	s18 =	sadd.s32 s21, s18;
	[bflag:$0x0] =	sbarrier.arrive $0xFFFF  }
0x24: {  	[hbm:s18@s19], [sflag:s6] =	dma.strided [spmem:s10@s20], $0x140, s17, $0x10   }
0x25: {  	_ =	swait.ge [sflag:s7], $0x140  }
0x26: {  	s21 =	sadd.s32 $0xFFFFFFFF, s22;
	[sflag:s7] =	ssyncset.done $0x0  }
.LBB2_1:
0x27: {  	p0 =	sne.s32 s21, $0x1;
	s21 =	sadd.s32 $0xFFFFFFFF, s21;
	[sflag:s7] =	ssyncadd.s32 $0xFFFFFEC0  }
0x28: {  	[spmem:s8], [sflag:s6] =	dma.local [hbm:s5], $0x140  }
0x29: {  	_ =	swait.ge [sflag:s7], $0x140  }
0x2a: {  	[sflag:s7] =	ssyncset.done $0x0  }
0x2b: {  	[sflag:s7] =	ssyncadd.s32 $0xFFFFFEC0  }
0x2c: {  	[spmem:s10], [sflag:s6] =	dma.local [hbm:s9], $0x140  }
0x2d: {  	_ =	swait.ge [sflag:s7], $0x140  }
0x2e: {  	[sflag:s7] =	ssyncset.done $0x0  }
0x2f: {  	[sflag:s7] =	ssyncadd.s32 $0xFFFFFEC0  }
0x30: {  	[tilespmem:s12], [sflag:$0x2] =	stream.linear.gather [hbm4b:s11+s4], $0x5000, $0x38;
	[tilespmem:$0x10400] =	vst v63  }
0x31: {  	_ =	swait.ge [sflag:s7], $0x5000  }
0x32: {  	[sflag:s7] =	ssyncset.done $0x0  }
0x33: {  	[sflag:s7] =	ssyncadd.s32 $0xFFFFB000  }
0x34: {  	[tilespmem:s14], [sflag:$0x2] =	stream.linear.gather [hbm4b:s13+s4], $0x5000, $0x38;
	[tilespmem:$0x10400] =	vst v63  }
0x35: {  	_ =	swait.ge [sflag:s7], $0x5000  }
0x36: {  	[sflag:s7] =	ssyncset.done $0x0  }
0x37: {  	[sflag:s7] =	ssyncadd.s32 $0xFFFFB000  }
0x38: {  	[bflag:$0x0] =	sbarrier.arrive $0xFFFF  }
0x39: {  	[tilespmem:s16], [sflag:$0x1] =	stream.indirect.gather [spmem:s2], $0x1, s12, s15, $0xb8;
	[tilespmem:$0x10400] =	vst v63  }
0x3a: {  	_ =	swait.ge [sflag:s17], $0x5000  }
0x3b: {  	[sflag:s17] =	ssyncset.done $0x0  }
0x3c: {  	[sflag:s17] =	ssyncadd.s32 $0xFFFFB000  }
0x3d: {  	[spmem:s3] =	stream.indirect.scatter.add.f32 [tilespmem:s16], [sflag:$0x2], $0x1, s14, s15, $0xb8;
	[tilespmem:$0x10400] =	vst v63  }
0x3e: {  	_ =	swait.ge [sflag:s7], $0x5000  }
0x3f: {  	[sflag:s7] =	ssyncset.done $0x0  }
.Ltmp1:
0x40: {  	[sflag:s7] =	ssyncadd.s32 $0xFFFFB000;
	(pc) =	sbr.rel @p0 .LBB2_1-.Ltmp1, $4  }
0x41: {  	[bflag:$0x0] =	sbarrier.arrive $0xFFFF  }
0x42: {  	[hbm:s18@s19], [sflag:s6] =	dma.strided [spmem:s10@s20], $0x140, s17, $0x10   }
0x43: {  	_ =	swait.ge [sflag:s7], $0x140  }
0x44: {  	[sflag:s7] =	ssyncset.done $0x0  }
.LBB2_2:
0x45: {  	[sflag:s7] =	ssyncadd.s32 $0xFFFFFEC0  }
0x46: {  	_ =	sfence.sel $0x180000  }
0x47: {  	[bflag:$0x0] =	sbarrier.arrive $0xFFFF  }
0x48: {  	p0 =	sne.s32 s0, $0x0;
	_ =	strace $0x9000004D  }
0x49: {  	s0 =	sadd.s32 @!p0 $0x100000, s1;
	[bflag:$0x2] =	sbarrier.arrive $0xFFFF  }
0x4a: {  	[sflag:s0] =	ssyncadd.tile.s32 @!p0 $0x1;
	_ =	shalt  }
.Lfunc_end2:
_tile_overlayer_lowered:
.L_overlay_start_2:
0x4b: {  	(tag) =	ssettag $0x2  }
0x4c: {  	s0 =	rddreg [dreg:$0x0];
	s2 =	stileid.u32  }
0x4d: {  	s1 =	rddreg [dreg:$0x1];
	p0 =	sne.s32 s2, $0x0  }
0x4e: {  	s3 =	rddreg [dreg:$0x2];
	[bflag:$0x3] =	sbarrier.arrive $0xFFFF;
	s2 =	simm.s32 @!p0 $0x1C02  }
0x4f: {  	[timem:s3], [sflag:s2] =	dma.local @!p0 [hbm:s0], s1  }
0x50: {  	s0 =	simm.s32 @!p0 $0x2  }
0x51: {  	_ =	swait.ge @!p0 [sflag:s0], s1  }
0x52: {  	s1 =	ssub.s32 @!p0 $0x0, s1;
	[sflag:s0] =	ssyncset.done @!p0 $0x0  }
0x53: {  	[sflag:s0] =	ssyncadd.s32 @!p0 s1  }
0x54: {  	[bflag:$0x3] =	sbarrier.arrive $0xFFFF  }
0x55: {  	_ =	shalt  }

// kernel: kernel.9.cloned.1.call-start
scs
__scs_entry_jumppad:
0x0: {  	(pc) =	sbr.rel $0x88, $3  }
0x1: {  	(tag) =	ssettag $0x0;
	lr =	simm.s32 $0x1  }
0x2: {  	[smem:$0x3F96] =	sst lr;
	_ =	strace $0xD0000000  }
0x3: {  	_ = 	snop  }
0x4: {  	_ = 	snop  }
0x5: {  	_ = 	snop  }
0x6: {  	_ = 	snop  }
0x7: {  	_ = 	snop  }
__scs_overlays_trampoline_lowered:
0x8: {  	[smem:$0x3FA5] =	sst s0  }
0x9: {  	[smem:$0x3FA6] =	sst s1  }
0xa: {  	[smem:$0x3FA7] =	sst s2  }
0xb: {  	[smem:$0x3FA8] =	sst s3  }
0xc: {  	[smem:$0x3FA9] =	sst s4  }
0xd: {  	[smem:$0x3FAA] =	sst s5  }
0xe: {  	[smem:$0x3FAB] =	sst s6  }
0xf: {  	[smem:$0x3FAC] =	sst s7  }
0x10: {  	[smem:$0x3FAD] =	sst s8  }
0x11: {  	[smem:$0x3FAE] =	sst s9;
	s0 =	simm.s32 @!p0 $0x0  }
0x12: {  	s1 =	sld [smem:$0x3F94];
	s0 =	simm.s32 @p0 $0x1  }
0x13: {  	[smem:$0x3FAF] =	sst s0;
	s0 =	simm.s32 @!p1 $0x0  }
0x14: {  	s2 =	sld [smem:$0x3F93];
	s0 =	simm.s32 @p1 $0x1  }
0x15: {  	[smem:$0x3FB0] =	sst s0;
	s0 =	simm.s32 @!p2 $0x0  }
0x16: {  	s3 =	sld [smem:$0x3FDB];
	s0 =	simm.s32 @p2 $0x1  }
0x17: {  	s4 =	simm.s32 $0x1BF5;
	[smem:$0x3FB2] =	sst s0  }
0x18: {  	s0 =	sld [smem:$0x3F95];
	_ =	swait.ge [sflag:s4], $0x0  }
0x19: {  	s7 =	sld [smem:$0x3F96]  }
0x1a: {  	s8 =	sadd.s32 $0xFFFFE003, lr  }
0x1b: {  	s9 =	sadd.s32 $0xFFFFFEF7, lr;
	s5 =	simm.s32 $0xFFFFFFFF;
	p2 =	slt.u32 s8, $0xFFFFF086  }
0x1c: {  	p1 =	slt.u32 s9, $0xF7A;
	s5 =	simm.s32 @!p2 $0x0  }
0x1d: {  	s5 =	simm.s32 @p1 $0x1;
	p0 =	seq.s32 s7, s2  }
0x1e: {  	s7 =	smul.u32 @!p0 $0xF7A, s2;
	p2 =	seq.s32 @!p0 s5, $0x0  }
0x1f: {  	s9 =	smul.u32 $0xF7A, s1;
	s8 =	simm.s32 @!p0 $0x1BF5;
	p2 =	por !p2, p0  }
0x20: {  	[sflag:s8] =	ssyncset.s32 @!p0 $0xFFFFF086;
	s6 =	sadd.s32 @!p0 s3, s7;
	s7 =	simm.s32 @!p0 $0x108  }
0x21: {  	s3 =	sadd.s32 s3, s9;
	s6 =	sadd.s32 @!p0 $0x88, s6;
	s7 =	simm.s32 @p2 $0x1082  }
0x22: {  	[simem:s7], [sflag:s8] =	dma.local @!p0 [hbm:s6], $0xF7A  }
0x23: {  	s9 =	sor.u32 $0xD0000000, s2;
	s6 =	simm.s32 $0x108;
	_ =	swait.ge @!p0 [sflag:s8], $0x0  }
0x24: {  	s3 =	sadd.s32 $0x88, s3;
	s6 =	simm.s32 @!p1 $0x1082;
	[sflag:s4] =	ssyncset.s32 $0xFFFFF086  }
0x25: {  	[simem:s6], [sflag:s4] =	dma.local [hbm:s3], $0xF7A  }
0x26: {  	[smem:$0x3F96] =	sst s1;
	(tag) =	ssettag s2;
	_ =	strace s9  }
0x27: {  	s1 =	sld [smem:$0x3FA6]  }
0x28: {  	s2 =	sld [smem:$0x3FA7]  }
0x29: {  	s4 =	sld [smem:$0x3FA9]  }
0x2a: {  	p0 =	seq.s32 s5, $0x0;
	s5 =	sld [smem:$0x3FAA]  }
0x2b: {  	s6 =	sld [smem:$0x3FAB]  }
0x2c: {  	s7 =	sld [smem:$0x3FAC]  }
0x2d: {  	s3 =	simm.s32 $0x108;
	s8 =	sld [smem:$0x3FAD]  }
0x2e: {  	s3 =	simm.s32 @!p0 $0x1082;
	s9 =	sld [smem:$0x3FAE]  }
0x2f: {  	lr =	sadd.s32 s0, s3;
	s0 =	sld [smem:$0x3FA5]  }
0x30: {  	s3 =	sld [smem:$0x3FA8]  }
0x31: {  	[smem:$0x3FB1] =	sst s10  }
0x32: {  	s10 =	sld [smem:$0x3FAF];
	_ =	sdelay $0x3  }
0x33: {  	p0 =	seq.s32 s10, $0x1;
	s10 =	sld [smem:$0x3FB1];
	_ =	sdelay $0x3  }
0x34: {  	[smem:$0x3FB1] =	sst s10  }
0x35: {  	s10 =	sld [smem:$0x3FB0];
	_ =	sdelay $0x3  }
0x36: {  	p1 =	seq.s32 s10, $0x1;
	s10 =	sld [smem:$0x3FB1];
	_ =	sdelay $0x3  }
0x37: {  	[smem:$0x3FB1] =	sst s10  }
0x38: {  	s10 =	sld [smem:$0x3FB2]  }
0x39: {  	_ = 	snop;
	(pc) =	sbr.ind lr, $3  }
0x3a: {  	_ = 	snop  }
0x3b: {  	_ = 	snop  }
0x3c: {  	p2 =	seq.s32 s10, $0x1;
	s10 =	sld [smem:$0x3FB1]  }
0x3d: {  	_ =	shalt  }
0x3e: {  	_ =	shalt  }
0x3f: {  	_ =	shalt  }
0x40: {  	_ =	shalt  }
0x41: {  	_ =	shalt  }
0x42: {  	_ =	shalt  }
0x43: {  	_ =	shalt  }
0x44: {  	_ =	shalt  }
0x45: {  	_ =	shalt  }
0x46: {  	_ =	shalt  }
0x47: {  	_ =	shalt  }
0x48: {  	_ =	shalt  }
0x49: {  	_ =	shalt  }
0x4a: {  	_ =	shalt  }
0x4b: {  	_ =	shalt  }
0x4c: {  	_ =	shalt  }
0x4d: {  	_ =	shalt  }
0x4e: {  	_ =	shalt  }
0x4f: {  	_ =	shalt  }
0x50: {  	_ =	shalt  }
0x51: {  	_ =	shalt  }
0x52: {  	_ =	shalt  }
0x53: {  	_ =	shalt  }
0x54: {  	_ =	shalt  }
0x55: {  	_ =	shalt  }
0x56: {  	_ =	shalt  }
0x57: {  	_ =	shalt  }
0x58: {  	_ =	shalt  }
0x59: {  	_ =	shalt  }
0x5a: {  	_ =	shalt  }
0x5b: {  	_ =	shalt  }
0x5c: {  	_ =	shalt  }
0x5d: {  	_ =	shalt  }
0x5e: {  	_ =	shalt  }
0x5f: {  	_ =	shalt  }
0x60: {  	_ =	shalt  }
0x61: {  	_ =	shalt  }
0x62: {  	_ =	shalt  }
0x63: {  	_ =	shalt  }
0x64: {  	_ =	shalt  }
0x65: {  	_ =	shalt  }
0x66: {  	_ =	shalt  }
0x67: {  	_ =	shalt  }
0x68: {  	_ =	shalt  }
0x69: {  	_ =	shalt  }
0x6a: {  	_ =	shalt  }
0x6b: {  	_ =	shalt  }
0x6c: {  	_ =	shalt  }
0x6d: {  	_ =	shalt  }
0x6e: {  	_ =	shalt  }
0x6f: {  	_ =	shalt  }
0x70: {  	_ =	shalt  }
0x71: {  	_ =	shalt  }
0x72: {  	_ =	shalt  }
0x73: {  	_ =	shalt  }
0x74: {  	_ =	shalt  }
0x75: {  	_ =	shalt  }
0x76: {  	_ =	shalt  }
0x77: {  	_ =	shalt  }
0x78: {  	_ =	shalt  }
0x79: {  	_ =	shalt  }
0x7a: {  	_ =	shalt  }
0x7b: {  	_ =	shalt  }
0x7c: {  	_ =	shalt  }
0x7d: {  	_ =	shalt  }
0x7e: {  	_ =	shalt  }
0x7f: {  	_ =	shalt  }
0x80: {  	_ =	shalt  }
0x81: {  	_ =	shalt  }
0x82: {  	_ =	shalt  }
0x83: {  	_ =	shalt  }
0x84: {  	_ =	shalt  }
0x85: {  	_ =	shalt  }
0x86: {  	_ =	shalt  }
0x87: {  	_ =	shalt  }
.Lfunc_end0:
.L_simem_size_0:
called_computation_lowered:
.L_overlay_start_0:
0x88: {  	s2 =	sld [smem:$0x3FD9]  }
0x89: {  	s3 =	sld [smem:$0x3FFE];
	_ =	sdelay $0x1  }
0x8a: {  	s1 =	srdreg.scid  }
0x8b: {  	s0 =	sand.u32 $0x1, s1  }
0x8c: {  	s16 =	sshll.u32 s0, $0xA;
	s2 =	sadd.s32 s3, s2  }
0x8d: {  	s2 =	sadd.s32 s2, s16  }
0x8e: {  	[smem:$0x3FBD] =	sst s2  }
0x8f: {  	_ = 	snop  }
0x90: {  	(tm) =	ssettm $0x1  }
0x91: {  	s17 =	sld [smem:$0x3FFB];
	_ =	sdelay $0x3  }
0x92: {  	_ =	strace s17  }
0x93: {  	s2 =	sld [smem:$0x3FFC];
	_ =	sdelay $0x3  }
0x94: {  	_ =	strace s2  }
0x95: {  	s2 =	sld [smem:$0x3FFD];
	_ =	sdelay $0x3  }
0x96: {  	_ =	strace s2  }
0x97: {  	_ =	strace $0x8FFFFFFF  }
0x98: {  	s18 =	sld [smem:$0x3FDB];
	_ =	sdelay $0x1  }
0x99: {  	s19 =	simm.s32 $_scs_section_size  }
0x9a: {  	s4 =	simm.s32 $_size__tile_overlayer_lowered;
	s5 =	simm.s32 $_tile_overlayer_lowered  }
0x9b: {  	s22 =	simm.s32 $0x1BFF;
	s21 =	sshll.u32 s5, $0x1;
	s2 =	sadd.s32 s19, s18  }
0x9c: {  	s6 =	simm.s32 $0x0;
	s20 =	sshll.u32 s4, $0x1;
	s4 =	sadd.s32 s21, s2  }
0x9d: {  	[timem:s6], [sflag:s22] =	dma.local [hbm:s4], s20  }
0x9e: {  	_ =	swait.ge [sflag:s22], s20  }
0x9f: {  	s3 =	ssub.s32 $0x0, s20;
	[sflag:s22] =	ssyncset.done $0x0  }
0xa0: {  	[sflag:s22] =	ssyncadd.s32 s3;
	_ =	sdelay $0x1  }
0xa1: {  	s23 =	simm.s32 $0x1B8B  }
0xa2: {  	_ =	swait.ge [sflag:s23], $0x1  }
0xa3: {  	[sflag:s23] =	ssyncset.done $0x0  }
0xa4: {  	s25 =	simm.s32 $0x1B8E;
	s24 =	sld [smem:$0x3FFE];
	[sflag:s23] =	ssyncadd.s32 $0xFFFFFFFF  }
0xa5: {  	s26 =	simm.s32 $execute0_lowered;
	[smem:$0x3FD2] =	sst s25  }
0xa6: {  	s4 =	sshll.u32 s26, $0x1;
	_ =	strace $0x80000046;
	[dreg:$0x1] =	wrdreg $0xFFFFFFFF  }
0xa7: {  	s28 =	simm.s32 $_size_execute0_lowered;
	s2 =	sadd.s32 s2, s4;
	[dreg:$0x0] =	wrdreg $0x0  }
0xa8: {  	s4 =	sshll.u32 s28, $0x1;
	[dreg:$0x2] =	wrdreg s2  }
0xa9: {  	[dreg:$0x3] =	wrdreg s4  }
0xaa: {  	[dreg:$0x4] =	wrdreg $0xC0  }
0xab: {  	_ =	task [dreg:s6], $0x5FFFF  }
0xac: {  	[dreg:$0x1] =	wrdreg $0xFFFFFFFF  }
0xad: {  	[dreg:$0x0] =	wrdreg $0x60  }
0xae: {  	[dreg:$0x2] =	wrdreg s24  }
0xaf: {  	[dreg:$0x3] =	wrdreg $0x0  }
0xb0: {  	[dreg:$0x4] =	wrdreg $0xA000  }
0xb1: {  	[dreg:$0x5] =	wrdreg $0x9  }
0xb2: {  	_ =	task.clear_ibuf [dreg:s6], $0x6FFFF;
	_ =	strace $0x90000046  }
0xb3: {  	s29 =	simm.s32 $0x9;
	_ =	strace $0x80000048  }
0xb4: {  	_ =	swait.ge [sflag:s29], $0x1  }
0xb5: {  	[sflag:s29] =	ssyncadd.s32 $0xFFFFFFFF  }
0xb6: {  	_ =	strace $0x90000048  }
0xb7: {  	_ =	sfence  }
0xb8: {  	s30 =	sld [smem:$0x0];
	_ =	sdelay $0x2  }
0xb9: {  	s31 =	sshll.u32 s1, $0xD;
	s1 =	sshrl.u32 s1, $0x2  }
0xba: {  	s3 =	sand.u32 $0x4000, s31;
	s1 =	sadd.s32 s1, s30  }
0xbb: {  	s0 =	sor.u32 s3, s0;
	s1 =	sshll.u32 s1, $0x11  }
0xbc: {  	s0 =	sor.u32 s1, s0  }
0xbd: {  	s0 =	sadd.s32 $0x8F2B, s0  }
0xbe: {  	[sflag:s0] =	ssyncadd.remote.s32 $0x1  }
0xbf: {  	_ =	sfence.sel $0xFFFF  }
0xc0: {  	[dreg:$0x0] =	wrdreg $0xFFFFFFFF;
	(pc) =	sbr.abs _section_cstart, $3  }
0xc1: {  	[dreg:$0x1] =	wrdreg $0xFFFFFFFF  }
0xc2: {  	_ =	task.clear_ibuf [dreg:s6], $0x2FFFF;
	_ =	strace $0x9FFFFFFF  }
0xc3: {  	(tm) =	ssettm $0x7FFFFFFF  }
tec
execute0_lowered:
.L_overlay_start_1:
0x0: {  	(tag) =	ssettag $0x1  }
0x1: {  	s18 =	rddreg [dreg:$0x0]  }
0x2: {  	s2 =	rddreg [dreg:$0x1]  }
0x3: {  	s3 =	rddreg [dreg:$0x2];
	s0 =	stileid.u32  }
0x4: {  	s5 =	srdreg.scid;
	s1 =	rddreg [dreg:$0x3]  }
0x5: {  	s4 =	simm.s32 $0x0;
	s9 =	smul.u32 $0xA00, s0;
	s19 =	sand.u32 $0x1, s5  }
0x6: {  	[smem:$0x7FF] =	sst s4;
	s11 =	smul.u32 $0xA000, s0;
	s6 =	sshll.u32 s0, $0x6  }
0x7: {  	s10 =	smul.u32 $0xA0000, s19;
	_ =	strace $0x80000047;
	s29 =	sshrl.u32 s9, $0x3  }
0x8: {  	s6 =	sor.u32 $0x1C02, s6;
	s7 =	sadd.s32 s9, s2;
	s12 =	sadd.s32 s29, s18  }
0x9: {  	s8 =	sshrl.u32 s7, $0x3;
	s7 =	simm.s32 $0x2;
	s5 =	sadd.s32 $0x2AA00, s12  }
0xa: {  	[spmem:s8], [sflag:s6] =	dma.local [hbm:s5], $0x140  }
0xb: {  	_ =	swait.ge [sflag:s7], $0x140  }
0xc: {  	s30 =	sadd.s32 s9, s3;
	s11 =	sadd.s32 s11, s10;
	[sflag:s7] =	ssyncset.done $0x0  }
0xd: {  	s10 =	sshrl.u32 s30, $0x3;
	s9 =	sadd.s32 $0x2BE00, s12;
	[sflag:s7] =	ssyncadd.s32 $0xFFFFFEC0  }
0xe: {  	[spmem:s10], [sflag:s6] =	dma.local [hbm:s9], $0x140  }
0xf: {  	s11 =	sshrl.u32 s11, $0x3;
	_ =	swait.ge [sflag:s7], $0x140  }
0x10: {  	s13 =	sadd.s32 s11, s18;
	[sflag:s7] =	ssyncset.done $0x0  }
0x11: {  	s12 =	simm.s32 $0x1400;
	s11 =	sadd.s32 $0x2A00, s13;
	[sflag:s7] =	ssyncadd.s32 $0xFFFFFEC0  }
0x12: {  	[tilespmem:s12], [sflag:$0x2] =	stream.linear.gather [hbm4b:s11+s4], $0x5000, $0x38;
	[tilespmem:$0x10400] =	vst v63  }
0x13: {  	_ =	swait.ge [sflag:s7], $0x5000  }
0x14: {  	[sflag:s7] =	ssyncset.done $0x0  }
0x15: {  	s14 =	simm.s32 $0x6400;
	s13 =	sadd.s32 $0x3400, s13;
	[sflag:s7] =	ssyncadd.s32 $0xFFFFB000  }
0x16: {  	[tilespmem:s14], [sflag:$0x2] =	stream.linear.gather [hbm4b:s13+s4], $0x5000, $0x38;
	[tilespmem:$0x10400] =	vst v63  }
0x17: {  	_ =	swait.ge [sflag:s7], $0x5000  }
0x18: {  	[sflag:s7] =	ssyncset.done $0x0  }
0x19: {  	s15 =	simm.s32 $0x5000;
	[sflag:s7] =	ssyncadd.s32 $0xFFFFB000  }
0x1a: {  	s16 =	simm.s32 $0xB400;
	s17 =	simm.s32 $0x1;
	[bflag:$0x0] =	sbarrier.arrive $0xFFFF  }
0x1b: {  	[tilespmem:s16], [sflag:$0x1] =	stream.indirect.gather [spmem:s2], $0x1, s12, s15, $0xb8;
	[tilespmem:$0x10400] =	vst v63  }
0x1c: {  	s20 =	sshll.u32 s19, $0x4;
	s19 =	ssub.s32 $0x2, s19;
	_ =	swait.ge [sflag:s17], $0x5000  }
0x1d: {  	s31 =	sshrl.u32 s19, $0x1;
	[sflag:s17] =	ssyncset.done $0x0  }
0x1e: {  	s21 =	smul.u32 $0x280, s0;
	s19 =	ssub.s32 s19, s31;
	[sflag:s17] =	ssyncadd.s32 $0xFFFFB000  }
0x1f: {  	[spmem:s3] =	stream.indirect.scatter.add.f32 [tilespmem:s16], [sflag:$0x2], $0x1, s14, s15, $0xb8;
	[tilespmem:$0x10400] =	vst v63  }
0x20: {  	s22 =	smax.u32 s19, $0x1;
	s19 =	simm.s32 $0x20;
	_ =	swait.ge [sflag:s7], $0x5000  }
0x21: {  	s18 =	sadd.s32 s20, s18;
	p0 =	sne.s32 s22, $0x1;
	[sflag:s7] =	ssyncset.done $0x0  }
.Ltmp0:
0x22: {  	s18 =	sadd.s32 $0x2D200, s18;
	[sflag:s7] =	ssyncadd.s32 $0xFFFFB000;
	(pc) =	sbr.rel @!p0 .LBB2_2-.Ltmp0, $4  }
0x23: {  	s20 =	simm.s32 $0x10;
	s18 =	sadd.s32 s21, s18;
	[bflag:$0x0] =	sbarrier.arrive $0xFFFF  }
0x24: {  	[hbm:s18@s19], [sflag:s6] =	dma.strided [spmem:s10@s20], $0x140, s17, $0x10   }
0x25: {  	_ =	swait.ge [sflag:s7], $0x140  }
0x26: {  	s21 =	sadd.s32 $0xFFFFFFFF, s22;
	[sflag:s7] =	ssyncset.done $0x0  }
.LBB2_1:
0x27: {  	p0 =	sne.s32 s21, $0x1;
	s21 =	sadd.s32 $0xFFFFFFFF, s21;
	[sflag:s7] =	ssyncadd.s32 $0xFFFFFEC0  }
0x28: {  	[spmem:s8], [sflag:s6] =	dma.local [hbm:s5], $0x140  }
0x29: {  	_ =	swait.ge [sflag:s7], $0x140  }
0x2a: {  	[sflag:s7] =	ssyncset.done $0x0  }
0x2b: {  	[sflag:s7] =	ssyncadd.s32 $0xFFFFFEC0  }
0x2c: {  	[spmem:s10], [sflag:s6] =	dma.local [hbm:s9], $0x140  }
0x2d: {  	_ =	swait.ge [sflag:s7], $0x140  }
0x2e: {  	[sflag:s7] =	ssyncset.done $0x0  }
0x2f: {  	[sflag:s7] =	ssyncadd.s32 $0xFFFFFEC0  }
0x30: {  	[tilespmem:s12], [sflag:$0x2] =	stream.linear.gather [hbm4b:s11+s4], $0x5000, $0x38;
	[tilespmem:$0x10400] =	vst v63  }
0x31: {  	_ =	swait.ge [sflag:s7], $0x5000  }
0x32: {  	[sflag:s7] =	ssyncset.done $0x0  }
0x33: {  	[sflag:s7] =	ssyncadd.s32 $0xFFFFB000  }
0x34: {  	[tilespmem:s14], [sflag:$0x2] =	stream.linear.gather [hbm4b:s13+s4], $0x5000, $0x38;
	[tilespmem:$0x10400] =	vst v63  }
0x35: {  	_ =	swait.ge [sflag:s7], $0x5000  }
0x36: {  	[sflag:s7] =	ssyncset.done $0x0  }
0x37: {  	[sflag:s7] =	ssyncadd.s32 $0xFFFFB000  }
0x38: {  	[bflag:$0x0] =	sbarrier.arrive $0xFFFF  }
0x39: {  	[tilespmem:s16], [sflag:$0x1] =	stream.indirect.gather [spmem:s2], $0x1, s12, s15, $0xb8;
	[tilespmem:$0x10400] =	vst v63  }
0x3a: {  	_ =	swait.ge [sflag:s17], $0x5000  }
0x3b: {  	[sflag:s17] =	ssyncset.done $0x0  }
0x3c: {  	[sflag:s17] =	ssyncadd.s32 $0xFFFFB000  }
0x3d: {  	[spmem:s3] =	stream.indirect.scatter.add.f32 [tilespmem:s16], [sflag:$0x2], $0x1, s14, s15, $0xb8;
	[tilespmem:$0x10400] =	vst v63  }
0x3e: {  	_ =	swait.ge [sflag:s7], $0x5000  }
0x3f: {  	[sflag:s7] =	ssyncset.done $0x0  }
.Ltmp1:
0x40: {  	[sflag:s7] =	ssyncadd.s32 $0xFFFFB000;
	(pc) =	sbr.rel @p0 .LBB2_1-.Ltmp1, $4  }
0x41: {  	[bflag:$0x0] =	sbarrier.arrive $0xFFFF  }
0x42: {  	[hbm:s18@s19], [sflag:s6] =	dma.strided [spmem:s10@s20], $0x140, s17, $0x10   }
0x43: {  	_ =	swait.ge [sflag:s7], $0x140  }
0x44: {  	[sflag:s7] =	ssyncset.done $0x0  }
.LBB2_2:
0x45: {  	[sflag:s7] =	ssyncadd.s32 $0xFFFFFEC0  }
0x46: {  	_ =	sfence.sel $0x180000  }
0x47: {  	[bflag:$0x0] =	sbarrier.arrive $0xFFFF  }
0x48: {  	p0 =	sne.s32 s0, $0x0;
	_ =	strace $0x90000047  }
0x49: {  	s0 =	sadd.s32 @!p0 $0x100000, s1;
	[bflag:$0x2] =	sbarrier.arrive $0xFFFF  }
0x4a: {  	[sflag:s0] =	ssyncadd.tile.s32 @!p0 $0x1;
	_ =	shalt  }
.Lfunc_end2:
_tile_overlayer_lowered:
.L_overlay_start_2:
0x4b: {  	(tag) =	ssettag $0x2  }
0x4c: {  	s0 =	rddreg [dreg:$0x0];
	s2 =	stileid.u32  }
0x4d: {  	s1 =	rddreg [dreg:$0x1];
	p0 =	sne.s32 s2, $0x0  }
0x4e: {  	s3 =	rddreg [dreg:$0x2];
	[bflag:$0x3] =	sbarrier.arrive $0xFFFF;
	s2 =	simm.s32 @!p0 $0x1C02  }
0x4f: {  	[timem:s3], [sflag:s2] =	dma.local @!p0 [hbm:s0], s1  }
0x50: {  	s0 =	simm.s32 @!p0 $0x2  }
0x51: {  	_ =	swait.ge @!p0 [sflag:s0], s1  }
0x52: {  	s1 =	ssub.s32 @!p0 $0x0, s1;
	[sflag:s0] =	ssyncset.done @!p0 $0x0  }
0x53: {  	[sflag:s0] =	ssyncadd.s32 @!p0 s1  }
0x54: {  	[bflag:$0x3] =	sbarrier.arrive $0xFFFF  }
0x55: {  	_ =	shalt  }

</sc_bundles>
